<compile_context>
chip_gen: v7x
topology: tpu7x:2x2x1
jax: 0.10.2.dev20260603
libtpu: 0.0.44.dev20260713+nightly
codegen_flags: <defaults>
</compile_context>

<pallas_src>
import functools

import jax
import jax.numpy as jnp
from jax import lax
from jax.experimental import pallas as pl
from jax.experimental.pallas import tpu as pltpu
from jax.experimental.pallas import tpu_sc as plsc

D_MODEL = 128
N_MEM = 100000
N_B = 128
TOPK = 10
BLKM = 4096
SCR = 16
NBLK = (N_MEM + BLKM - 1) // BLKM

_NEG = float("-inf")
_BIGI = 2**30
_HI = jax.lax.Precision.HIGHEST


def _scan_kernel(gf_ref, gn_ref, pat_ref, pn_ref,
                 mW1_ref, mb1_ref, mW2_ref, mb2_ref, mW3_ref, mb3_ref,
                 sW1_ref, sb1_ref, sW2_ref, sb2_ref, sW3_ref, sb3_ref,
                 vals_out, idxs_out, match_out, sparams_out,
                 vals_scr, idxs_scr):
    j = pl.program_id(0)

    @pl.when(j == 0)
    def _init():
        gf = gf_ref[...]
        vals_scr[...] = jnp.full((SCR, N_B), _NEG, jnp.float32)
        idxs_scr[...] = jnp.full((SCR, N_B), _BIGI, jnp.int32)
        gelu = lambda x: 0.5 * x * (1.0 + jax.lax.erf(x * 0.7071067811865476))
        mf = gelu(jnp.dot(gf, mW1_ref[...], preferred_element_type=jnp.float32, precision=_HI) + mb1_ref[...])
        mf = gelu(jnp.dot(mf, mW2_ref[...], preferred_element_type=jnp.float32, precision=_HI) + mb2_ref[...])
        match = jnp.dot(mf, mW3_ref[...], preferred_element_type=jnp.float32, precision=_HI) + mb3_ref[...]
        match_out[...] = match
        syn = jnp.concatenate([gf, match], axis=1)
        sp = gelu(jnp.dot(syn, sW1_ref[...], preferred_element_type=jnp.float32, precision=_HI) + sb1_ref[...])
        sp = gelu(jnp.dot(sp, sW2_ref[...], preferred_element_type=jnp.float32, precision=_HI) + sb2_ref[...])
        sparams_out[...] = jnp.dot(sp, sW3_ref[...], preferred_element_type=jnp.float32, precision=_HI) + sb3_ref[...]

    pat = pat_ref[...]
    gf = gf_ref[...]
    dots = jax.lax.dot_general(pat, gf, (((1,), (1,)), ((), ())),
                               preferred_element_type=jnp.float32)
    denom = jnp.maximum(pn_ref[...] * gn_ref[...], 1e-8)
    sims = dots / denom
    col = j * BLKM + jax.lax.broadcasted_iota(jnp.int32, (BLKM, N_B), 0)
    valid = col < N_MEM
    sims = jnp.where(valid, sims, _NEG)
    col = jnp.where(valid, col, _BIGI)

    half = BLKM // 2
    av, bv = sims[:half], sims[half:]
    ai, bi = col[:half], col[half:]
    agb = av >= bv
    fv = jnp.where(agb, av, bv)
    fi = jnp.where(agb, ai, bi)
    comb_v = jnp.concatenate([vals_scr[...], fv], axis=0)
    comb_i = jnp.concatenate([idxs_scr[...], fi], axis=0)
    repl_v = jnp.concatenate(
        [jnp.full((SCR, N_B), _NEG, jnp.float32), jnp.where(agb, bv, av)], axis=0)
    repl_i = jnp.concatenate(
        [jnp.full((SCR, N_B), _BIGI, jnp.int32), jnp.where(agb, bi, ai)], axis=0)
    for k in range(TOPK):
        m = jnp.max(comb_v, axis=0, keepdims=True)
        is_m = comb_v == m
        sel = jnp.min(jnp.where(is_m, comb_i, _BIGI), axis=0, keepdims=True)
        hit = comb_i == sel
        comb_v = jnp.where(hit, repl_v, comb_v)
        comb_i = jnp.where(hit, repl_i, comb_i)
        repl_v = jnp.where(hit, _NEG, repl_v)
        vals_scr[pl.ds(k, 1), :] = m
        idxs_scr[pl.ds(k, 1), :] = sel

    @pl.when(j == NBLK - 1)
    def _fin():
        vals_out[...] = vals_scr[...]
        idxs_out[...] = idxs_scr[...]


_NC = 2
_NS = 16
_NW = _NC * _NS
_BPW = (N_B * TOPK) // _NW
_QPW = _BPW // TOPK
_LANES = 16


def _sc_gather(idx_hbm, cat_hbm, comp_hbm, catw_hbm, compw_hbm,
               idx_v, cat_v, comp_v, acc_cat, acc_comp, sem):
    wid = lax.axis_index("s") * _NC + lax.axis_index("c")
    base = wid * _BPW
    pltpu.sync_copy(idx_hbm.at[pl.ds(base, _BPW)], idx_v)
    pltpu.async_copy(cat_hbm.at[idx_v], cat_v, sem).wait()
    pltpu.async_copy(comp_hbm.at[idx_v], comp_v, sem).wait()
    inv_k = jnp.float32(1.0 / TOPK)
    for g in range(_QPW):
        for c in range(32 // _LANES):
            acc = cat_v[g * TOPK, pl.ds(c * _LANES, _LANES)]
            for r in range(1, TOPK):
                acc = acc + cat_v[g * TOPK + r, pl.ds(c * _LANES, _LANES)]
            acc_cat[g, pl.ds(c * _LANES, _LANES)] = acc * inv_k
        accc = comp_v[g * TOPK, pl.ds(0, _LANES)]
        for r in range(1, TOPK):
            accc = accc + comp_v[g * TOPK + r, pl.ds(0, _LANES)]
        acc_comp[g, pl.ds(0, _LANES)] = accc * inv_k
    pltpu.sync_copy(acc_cat, catw_hbm.at[pl.ds(wid * _QPW, _QPW)])
    pltpu.sync_copy(acc_comp, compw_hbm.at[pl.ds(wid * _QPW, _QPW)])


def _sc_gather_call(idx_flat, pattern_categories, pattern_complexity):
    call = functools.partial(
        pl.kernel,
        mesh=plsc.VectorSubcoreMesh(core_axis_name="c", subcore_axis_name="s"),
        compiler_params=pltpu.CompilerParams(use_tc_tiling_on_sc=False),
        out_type=[
            jax.ShapeDtypeStruct((N_B, 32), jnp.float32),
            jax.ShapeDtypeStruct((N_B, 16), jnp.float32),
        ],
        scratch_types=[
            pltpu.VMEM((_BPW,), jnp.int32),
            pltpu.VMEM((_BPW, 32), jnp.float32),
            pltpu.VMEM((_BPW, 16), jnp.float32),
            pltpu.VMEM((_QPW, 32), jnp.float32),
            pltpu.VMEM((_QPW, 16), jnp.float32),
            pltpu.SemaphoreType.DMA,
        ],
    )(_sc_gather)
    return call(idx_flat, pattern_categories, pattern_complexity)


@functools.partial(jax.jit, static_argnames=())
def kernel(features, strategic_patterns, pattern_categories, pattern_complexity,
           mW1, mb1, mW2, mb2, mW3, mb3, sW1, sb1, sW2, sb2, sW3, sb3):
    global_features = jnp.mean(features, axis=(2, 3))
    gn = jnp.linalg.norm(global_features, axis=1, keepdims=True)
    pn = jnp.linalg.norm(strategic_patterns, axis=1, keepdims=True)

    bias2 = lambda b: b.reshape(1, -1)
    full = lambda shape: pl.BlockSpec(shape, lambda j: tuple(0 for _ in shape))

    vals, idxs, match, sparams = pl.pallas_call(
        _scan_kernel,
        grid=(NBLK,),
        in_specs=[
            full((N_B, D_MODEL)),
            full((1, N_B)),
            pl.BlockSpec((BLKM, D_MODEL), lambda j: (j, 0)),
            pl.BlockSpec((BLKM, 1), lambda j: (j, 0)),
            full((D_MODEL, 256)), full((1, 256)),
            full((256, D_MODEL)), full((1, D_MODEL)),
            full((D_MODEL, 128)), full((1, 128)),
            full((256, 256)), full((1, 256)),
            full((256, D_MODEL)), full((1, D_MODEL)),
            full((D_MODEL, 64)), full((1, 64)),
        ],
        out_specs=[
            full((SCR, N_B)), full((SCR, N_B)),
            full((N_B, 128)), full((N_B, 64)),
        ],
        out_shape=[
            jax.ShapeDtypeStruct((SCR, N_B), jnp.float32),
            jax.ShapeDtypeStruct((SCR, N_B), jnp.int32),
            jax.ShapeDtypeStruct((N_B, 128), jnp.float32),
            jax.ShapeDtypeStruct((N_B, 64), jnp.float32),
        ],
        scratch_shapes=[
            pltpu.VMEM((SCR, N_B), jnp.float32),
            pltpu.VMEM((SCR, N_B), jnp.int32),
        ],
    )(global_features, gn.T, strategic_patterns, pn,
      mW1, bias2(mb1), mW2, bias2(mb2), mW3, bias2(mb3),
      sW1, bias2(sb1), sW2, bias2(sb2), sW3, bias2(sb3))

    top_vals = vals[:TOPK].T
    top_idxs = idxs[:TOPK].T
    idx_flat = top_idxs.reshape(N_B * TOPK)
    cat_w, comp_w = _sc_gather_call(idx_flat, pattern_categories, pattern_complexity)

    return (top_vals, top_idxs, cat_w, comp_w, sparams, match)

# --- scband reference (transcript-rebuilt; emitter-appended) ---
"""Pipeline reference for scband-mega-pattern-memory-89747636617816 (READ-ONLY COPY).

The authoritative reference and input builder live on the scoring server;
editing this copy changes nothing except your own understanding.
"""

import jax, jax.numpy as jnp
import numpy as np

D_MODEL = 128
MEM = 100000
B = 128


def _linear_params(key, fan_in, fan_out):
    kw, kb = jax.random.split(key)
    lim = 1.0 / np.sqrt(fan_in)
    W = jax.random.uniform(kw, (fan_in, fan_out), jnp.float32, -lim, lim)
    b = jax.random.uniform(kb, (fan_out,), jnp.float32, -lim, lim)
    return W, b


def setup_inputs(seed: int = 0) -> dict:
    key = jax.random.key(seed)
    ks = jax.random.split(key, 12)
    features = jax.random.normal(ks[0], (B, D_MODEL, 8, 8), jnp.float32)
    strategic_patterns = jax.random.normal(ks[1], (MEM, D_MODEL), jnp.float32) * 0.01
    pattern_categories = jax.random.normal(ks[2], (MEM, 32), jnp.float32) * 0.01
    pattern_complexity = jax.random.normal(ks[3], (MEM, 16), jnp.float32) * 0.01
    mW1, mb1 = _linear_params(ks[4], D_MODEL, D_MODEL * 2)
    mW2, mb2 = _linear_params(ks[5], D_MODEL * 2, D_MODEL)
    mW3, mb3 = _linear_params(ks[6], D_MODEL, 128)
    sW1, sb1 = _linear_params(ks[7], D_MODEL + 128, D_MODEL * 2)
    sW2, sb2 = _linear_params(ks[8], D_MODEL * 2, D_MODEL)
    sW3, sb3 = _linear_params(ks[9], D_MODEL, 64)
    return {
        'features': features,
        'strategic_patterns': strategic_patterns,
        'pattern_categories': pattern_categories,
        'pattern_complexity': pattern_complexity,
        'mW1': mW1, 'mb1': mb1, 'mW2': mW2, 'mb2': mb2, 'mW3': mW3, 'mb3': mb3,
        'sW1': sW1, 'sb1': sb1, 'sW2': sW2, 'sb2': sb2, 'sW3': sW3, 'sb3': sb3,
    }


def reference(features, strategic_patterns, pattern_categories, pattern_complexity,
              mW1, mb1, mW2, mb2, mW3, mb3, sW1, sb1, sW2, sb2, sW3, sb3):
    gelu = lambda x: jax.nn.gelu(x, approximate=False)
    # adaptive_avg_pool2d(features, 1) -> global mean over H, W
    global_features = jnp.mean(features, axis=(2, 3))  # [B, d_model]
    # pattern_matcher MLP
    mf = gelu(global_features @ mW1 + mb1)
    mf = gelu(mf @ mW2 + mb2)
    match_features = mf @ mW3 + mb3  # [B, 128]
    # cosine similarity against memory
    gn = jnp.linalg.norm(global_features, axis=1, keepdims=True)  # [B,1]
    pn = jnp.linalg.norm(strategic_patterns, axis=1, keepdims=True)  # [MEM,1]
    dots = global_features @ strategic_patterns.T  # [B, MEM]
    memory_similarity = dots / jnp.maximum(gn * pn.T, 1e-8)
    top_k = min(10, strategic_patterns.shape[0])
    top_patterns, top_indices = jax.lax.top_k(memory_similarity, top_k)
    # gather category / complexity rows for top patterns, mean over k
    category_weights = jnp.take(pattern_categories, top_indices, axis=0).mean(axis=1)  # [B,32]
    complexity_weights = jnp.take(pattern_complexity, top_indices, axis=0).mean(axis=1)  # [B,16]
    # pattern_synthesizer MLP
    synthesis_input = jnp.concatenate([global_features, match_features], axis=1)
    sp = gelu(synthesis_input @ sW1 + sb1)
    sp = gelu(sp @ sW2 + sb2)
    strategic_params = sp @ sW3 + sb3  # [B,64]
    return (top_patterns, top_indices, category_weights, complexity_weights,
            strategic_params, match_features)

if __name__ == "__main__":
    import jax
    _d = setup_inputs()
    print(jax.jit(kernel)(*tuple(_d.values())))

</pallas_src>

<mosaic_0001>
#map = affine_map<(d0, d1) -> (0)>
#map1 = affine_map<(d0, d1) -> (0, 0)>
module attributes {stable_mosaic.version = 14 : i64} {
  func.func @_sc_gather(%arg0: i32, %arg1: i32, %arg2: memref<1280xi32, #tpu.memory_space<hbm>>, %arg3: memref<100000x32xf32, #tpu.memory_space<hbm>>, %arg4: memref<100000x16xf32, #tpu.memory_space<hbm>>, %arg5: memref<128x32xf32, #tpu.memory_space<hbm>>, %arg6: memref<128x16xf32, #tpu.memory_space<hbm>>, %arg7: memref<40xi32, #tpu.memory_space<vmem>>, %arg8: memref<40x32xf32, #tpu.memory_space<vmem>>, %arg9: memref<40x16xf32, #tpu.memory_space<vmem>>, %arg10: memref<4x32xf32, #tpu.memory_space<vmem>>, %arg11: memref<4x16xf32, #tpu.memory_space<vmem>>, %arg12: memref<!tpu.dma_semaphore, #tpu.memory_space<semaphore_mem>>) attributes {dimension_semantics = [#tpu.dimension_semantics<core_parallel>, #tpu.dimension_semantics<subcore_parallel>], iteration_bounds = array<i64: 2, 16>, scalar_prefetch = 0 : i64, scratch_operands = 6 : i64, tpu.core_type = #tpu.core_type<sc_vector_subcore>, window_params = [{transform_indices = #map}, {transform_indices = #map1}, {transform_indices = #map1}, {transform_indices = #map1}, {transform_indices = #map1}]} {
    %mul3A = arith.constant 2 : i32
    %mul3A_0 = arith.muli %arg1, %mul3A : i32
    %add3A = arith.addi %mul3A_0, %arg0 : i32
    %mul3A_1 = arith.constant 40 : i32
    %mul3A_2 = arith.muli %add3A, %mul3A_1 : i32
    "tpu.region"() ({
      %run_scoped3A = tpu.sem_alloc : memref<!tpu.dma_semaphore, #tpu.memory_space<semaphore_mem>>
      %dma_start3A_831 = tpu.memref_slice %arg2[%mul3A_2] : memref<1280xi32, #tpu.memory_space<hbm>> -> memref<40xi32, #tpu.memory_space<hbm>>
      %dma_start3A_832 = tpu.memref_slice %arg2[%mul3A_2] : memref<1280xi32, #tpu.memory_space<hbm>> -> memref<40xi32, #tpu.memory_space<hbm>>
      tpu.enqueue_dma source(%dma_start3A_832 : memref<40xi32, #tpu.memory_space<hbm>>) target(%arg7 : memref<40xi32, #tpu.memory_space<vmem>>) target_semaphore(%run_scoped3A : memref<!tpu.dma_semaphore, #tpu.memory_space<semaphore_mem>>)
      %dma_wait3A_833 = tpu.memref_slice %arg2[%mul3A_2] : memref<1280xi32, #tpu.memory_space<hbm>> -> memref<40xi32, #tpu.memory_space<hbm>>
      %dma_wait3A_834 = tpu.memref_slice %arg2[%mul3A_2] : memref<1280xi32, #tpu.memory_space<hbm>> -> memref<40xi32, #tpu.memory_space<hbm>>
      tpu.wait_dma2 semaphore(%run_scoped3A : memref<!tpu.dma_semaphore, #tpu.memory_space<semaphore_mem>>) src(%dma_wait3A_834 : memref<40xi32, #tpu.memory_space<hbm>>) dst(%arg7 : memref<40xi32, #tpu.memory_space<vmem>>)
      tpu.yield
    }) : () -> ()
    %dma_start3A = arith.constant 0 : i32
    %dma_start3A_3 = arith.constant 0 : i32
    %dma_start3A_4 = tpu.memref_slice %arg3[%dma_start3A, %dma_start3A_3] : memref<100000x32xf32, #tpu.memory_space<hbm>> -> memref<100000x32xf32, #tpu.memory_space<hbm>>
    tpu.enqueue_indirect_dma source(%dma_start3A_4 : memref<100000x32xf32, #tpu.memory_space<hbm>>) target(%arg8 : memref<40x32xf32, #tpu.memory_space<vmem>>) offsets(%arg7 : memref<40xi32, #tpu.memory_space<vmem>>) semaphore(%arg12 : memref<!tpu.dma_semaphore, #tpu.memory_space<semaphore_mem>>)
    %dma_wait3A = arith.constant 0 : i32
    %dma_wait3A_5 = arith.constant 0 : i32
    %dma_wait3A_6 = tpu.memref_slice %arg3[%dma_wait3A, %dma_wait3A_5] : memref<100000x32xf32, #tpu.memory_space<hbm>> -> memref<100000x32xf32, #tpu.memory_space<hbm>>
    tpu.wait_indirect_dma semaphore(%arg12 : memref<!tpu.dma_semaphore, #tpu.memory_space<semaphore_mem>>) src(%dma_wait3A_6 : memref<100000x32xf32, #tpu.memory_space<hbm>>) dst(%arg8 : memref<40x32xf32, #tpu.memory_space<vmem>>)
    %dma_start3A_7 = arith.constant 0 : i32
    %dma_start3A_8 = arith.constant 0 : i32
    %dma_start3A_9 = tpu.memref_slice %arg4[%dma_start3A_7, %dma_start3A_8] : memref<100000x16xf32, #tpu.memory_space<hbm>> -> memref<100000x16xf32, #tpu.memory_space<hbm>>
    tpu.enqueue_indirect_dma source(%dma_start3A_9 : memref<100000x16xf32, #tpu.memory_space<hbm>>) target(%arg9 : memref<40x16xf32, #tpu.memory_space<vmem>>) offsets(%arg7 : memref<40xi32, #tpu.memory_space<vmem>>) semaphore(%arg12 : memref<!tpu.dma_semaphore, #tpu.memory_space<semaphore_mem>>)
    %dma_wait3A_10 = arith.constant 0 : i32
    %dma_wait3A_11 = arith.constant 0 : i32
    %dma_wait3A_12 = tpu.memref_slice %arg4[%dma_wait3A_10, %dma_wait3A_11] : memref<100000x16xf32, #tpu.memory_space<hbm>> -> memref<100000x16xf32, #tpu.memory_space<hbm>>
    tpu.wait_indirect_dma semaphore(%arg12 : memref<!tpu.dma_semaphore, #tpu.memory_space<semaphore_mem>>) src(%dma_wait3A_12 : memref<100000x16xf32, #tpu.memory_space<hbm>>) dst(%arg9 : memref<40x16xf32, #tpu.memory_space<vmem>>)
    %get3A = arith.constant 0 : i32
    %get3A_13 = arith.index_cast %get3A : i32 to index
    %get3A_14 = arith.constant 0 : index
    %get3A_15 = tpu.vector_load %arg8[%get3A_13, %get3A_14] {strides = array<i32>} : memref<40x32xf32, #tpu.memory_space<vmem>>, vector<1x16xf32>,
    %get3A_16 = vector.shape_cast %get3A_15 : vector<1x16xf32> to vector<16xf32>
    %get3A_17 = arith.constant 1 : i32
    %get3A_18 = arith.index_cast %get3A_17 : i32 to index
    %get3A_19 = arith.constant 0 : index
    %get3A_20 = tpu.vector_load %arg8[%get3A_18, %get3A_19] {strides = array<i32>} : memref<40x32xf32, #tpu.memory_space<vmem>>, vector<1x16xf32>,
    %get3A_21 = vector.shape_cast %get3A_20 : vector<1x16xf32> to vector<16xf32>
    %add3A_22 = arith.addf %get3A_16, %get3A_21 : vector<16xf32>
    %get3A_23 = arith.constant 2 : i32
    %get3A_24 = arith.index_cast %get3A_23 : i32 to index
    %get3A_25 = arith.constant 0 : index
    %get3A_26 = tpu.vector_load %arg8[%get3A_24, %get3A_25] {strides = array<i32>} : memref<40x32xf32, #tpu.memory_space<vmem>>, vector<1x16xf32>,
    %get3A_27 = vector.shape_cast %get3A_26 : vector<1x16xf32> to vector<16xf32>
    %add3A_28 = arith.addf %add3A_22, %get3A_27 : vector<16xf32>
    %get3A_29 = arith.constant 3 : i32
    %get3A_30 = arith.index_cast %get3A_29 : i32 to index
    %get3A_31 = arith.constant 0 : index
    %get3A_32 = tpu.vector_load %arg8[%get3A_30, %get3A_31] {strides = array<i32>} : memref<40x32xf32, #tpu.memory_space<vmem>>, vector<1x16xf32>,
    %get3A_33 = vector.shape_cast %get3A_32 : vector<1x16xf32> to vector<16xf32>
    %add3A_34 = arith.addf %add3A_28, %get3A_33 : vector<16xf32>
    %get3A_35 = arith.constant 4 : i32
    %get3A_36 = arith.index_cast %get3A_35 : i32 to index
    %get3A_37 = arith.constant 0 : index
    %get3A_38 = tpu.vector_load %arg8[%get3A_36, %get3A_37] {strides = array<i32>} : memref<40x32xf32, #tpu.memory_space<vmem>>, vector<1x16xf32>,
    %get3A_39 = vector.shape_cast %get3A_38 : vector<1x16xf32> to vector<16xf32>
    %add3A_40 = arith.addf %add3A_34, %get3A_39 : vector<16xf32>
    %get3A_41 = arith.constant 5 : i32
    %get3A_42 = arith.index_cast %get3A_41 : i32 to index
    %get3A_43 = arith.constant 0 : index
    %get3A_44 = tpu.vector_load %arg8[%get3A_42, %get3A_43] {strides = array<i32>} : memref<40x32xf32, #tpu.memory_space<vmem>>, vector<1x16xf32>,
    %get3A_45 = vector.shape_cast %get3A_44 : vector<1x16xf32> to vector<16xf32>
    %add3A_46 = arith.addf %add3A_40, %get3A_45 : vector<16xf32>
    %get3A_47 = arith.constant 6 : i32
    %get3A_48 = arith.index_cast %get3A_47 : i32 to index
    %get3A_49 = arith.constant 0 : index
    %get3A_50 = tpu.vector_load %arg8[%get3A_48, %get3A_49] {strides = array<i32>} : memref<40x32xf32, #tpu.memory_space<vmem>>, vector<1x16xf32>,
    %get3A_51 = vector.shape_cast %get3A_50 : vector<1x16xf32> to vector<16xf32>
    %add3A_52 = arith.addf %add3A_46, %get3A_51 : vector<16xf32>
    %get3A_53 = arith.constant 7 : i32
    %get3A_54 = arith.index_cast %get3A_53 : i32 to index
    %get3A_55 = arith.constant 0 : index
    %get3A_56 = tpu.vector_load %arg8[%get3A_54, %get3A_55] {strides = array<i32>} : memref<40x32xf32, #tpu.memory_space<vmem>>, vector<1x16xf32>,
    %get3A_57 = vector.shape_cast %get3A_56 : vector<1x16xf32> to vector<16xf32>
    %add3A_58 = arith.addf %add3A_52, %get3A_57 : vector<16xf32>
    %get3A_59 = arith.constant 8 : i32
    %get3A_60 = arith.index_cast %get3A_59 : i32 to index
    %get3A_61 = arith.constant 0 : index
    %get3A_62 = tpu.vector_load %arg8[%get3A_60, %get3A_61] {strides = array<i32>} : memref<40x32xf32, #tpu.memory_space<vmem>>, vector<1x16xf32>,
    %get3A_63 = vector.shape_cast %get3A_62 : vector<1x16xf32> to vector<16xf32>
    %add3A_64 = arith.addf %add3A_58, %get3A_63 : vector<16xf32>
    %get3A_65 = arith.constant 9 : i32
    %get3A_66 = arith.index_cast %get3A_65 : i32 to index
    %get3A_67 = arith.constant 0 : index
    %get3A_68 = tpu.vector_load %arg8[%get3A_66, %get3A_67] {strides = array<i32>} : memref<40x32xf32, #tpu.memory_space<vmem>>, vector<1x16xf32>,
    %get3A_69 = vector.shape_cast %get3A_68 : vector<1x16xf32> to vector<16xf32>
    %add3A_70 = arith.addf %add3A_64, %get3A_69 : vector<16xf32>
    %mul3A_71 = arith.constant 1.000000e-01 : f32
    %mul3A_72 = vector.broadcast %mul3A_71 : f32 to vector<16xf32>
    %mul3A_73 = arith.mulf %add3A_70, %mul3A_72 : vector<16xf32>
    %swap3A = arith.constant 0 : i32
    %swap3A_74 = arith.index_cast %swap3A : i32 to index
    %swap3A_75 = arith.constant 0 : index
    %swap3A_76 = tpu.vector_load %arg10[%swap3A_74, %swap3A_75] {strides = array<i32>} : memref<4x32xf32, #tpu.memory_space<vmem>>, vector<1x16xf32>,
    %swap3A_77 = vector.shape_cast %swap3A_76 : vector<1x16xf32> to vector<16xf32>
    %swap3A_78 = vector.shape_cast %mul3A_73 : vector<16xf32> to vector<1x16xf32>
    tpu.vector_store %arg10[%swap3A_74, %swap3A_75], %swap3A_78 {strides = array<i32>} : memref<4x32xf32, #tpu.memory_space<vmem>>, vector<1x16xf32>,
    %get3A_79 = arith.constant 0 : i32
    %get3A_80 = arith.index_cast %get3A_79 : i32 to index
    %get3A_81 = arith.constant 16 : index
    %get3A_82 = tpu.vector_load %arg8[%get3A_80, %get3A_81] {strides = array<i32>} : memref<40x32xf32, #tpu.memory_space<vmem>>, vector<1x16xf32>,
    %get3A_83 = vector.shape_cast %get3A_82 : vector<1x16xf32> to vector<16xf32>
    %get3A_84 = arith.constant 1 : i32
    %get3A_85 = arith.index_cast %get3A_84 : i32 to index
    %get3A_86 = arith.constant 16 : index
    %get3A_87 = tpu.vector_load %arg8[%get3A_85, %get3A_86] {strides = array<i32>} : memref<40x32xf32, #tpu.memory_space<vmem>>, vector<1x16xf32>,
    %get3A_88 = vector.shape_cast %get3A_87 : vector<1x16xf32> to vector<16xf32>
    %add3A_89 = arith.addf %get3A_83, %get3A_88 : vector<16xf32>
    %get3A_90 = arith.constant 2 : i32
    %get3A_91 = arith.index_cast %get3A_90 : i32 to index
    %get3A_92 = arith.constant 16 : index
    %get3A_93 = tpu.vector_load %arg8[%get3A_91, %get3A_92] {strides = array<i32>} : memref<40x32xf32, #tpu.memory_space<vmem>>, vector<1x16xf32>,
    %get3A_94 = vector.shape_cast %get3A_93 : vector<1x16xf32> to vector<16xf32>
    %add3A_95 = arith.addf %add3A_89, %get3A_94 : vector<16xf32>
    %get3A_96 = arith.constant 3 : i32
    %get3A_97 = arith.index_cast %get3A_96 : i32 to index
    %get3A_98 = arith.constant 16 : index
    %get3A_99 = tpu.vector_load %arg8[%get3A_97, %get3A_98] {strides = array<i32>} : memref<40x32xf32, #tpu.memory_space<vmem>>, vector<1x16xf32>,
    %get3A_100 = vector.shape_cast %get3A_99 : vector<1x16xf32> to vector<16xf32>
    %add3A_101 = arith.addf %add3A_95, %get3A_100 : vector<16xf32>
    %get3A_102 = arith.constant 4 : i32
    %get3A_103 = arith.index_cast %get3A_102 : i32 to index
    %get3A_104 = arith.constant 16 : index
    %get3A_105 = tpu.vector_load %arg8[%get3A_103, %get3A_104] {strides = array<i32>} : memref<40x32xf32, #tpu.memory_space<vmem>>, vector<1x16xf32>,
    %get3A_106 = vector.shape_cast %get3A_105 : vector<1x16xf32> to vector<16xf32>
    %add3A_107 = arith.addf %add3A_101, %get3A_106 : vector<16xf32>
    %get3A_108 = arith.constant 5 : i32
    %get3A_109 = arith.index_cast %get3A_108 : i32 to index
    %get3A_110 = arith.constant 16 : index
    %get3A_111 = tpu.vector_load %arg8[%get3A_109, %get3A_110] {strides = array<i32>} : memref<40x32xf32, #tpu.memory_space<vmem>>, vector<1x16xf32>,
    %get3A_112 = vector.shape_cast %get3A_111 : vector<1x16xf32> to vector<16xf32>
    %add3A_113 = arith.addf %add3A_107, %get3A_112 : vector<16xf32>
    %get3A_114 = arith.constant 6 : i32
    %get3A_115 = arith.index_cast %get3A_114 : i32 to index
    %get3A_116 = arith.constant 16 : index
    %get3A_117 = tpu.vector_load %arg8[%get3A_115, %get3A_116] {strides = array<i32>} : memref<40x32xf32, #tpu.memory_space<vmem>>, vector<1x16xf32>,
    %get3A_118 = vector.shape_cast %get3A_117 : vector<1x16xf32> to vector<16xf32>
    %add3A_119 = arith.addf %add3A_113, %get3A_118 : vector<16xf32>
    %get3A_120 = arith.constant 7 : i32
    %get3A_121 = arith.index_cast %get3A_120 : i32 to index
    %get3A_122 = arith.constant 16 : index
    %get3A_123 = tpu.vector_load %arg8[%get3A_121, %get3A_122] {strides = array<i32>} : memref<40x32xf32, #tpu.memory_space<vmem>>, vector<1x16xf32>,
    %get3A_124 = vector.shape_cast %get3A_123 : vector<1x16xf32> to vector<16xf32>
    %add3A_125 = arith.addf %add3A_119, %get3A_124 : vector<16xf32>
    %get3A_126 = arith.constant 8 : i32
    %get3A_127 = arith.index_cast %get3A_126 : i32 to index
    %get3A_128 = arith.constant 16 : index
    %get3A_129 = tpu.vector_load %arg8[%get3A_127, %get3A_128] {strides = array<i32>} : memref<40x32xf32, #tpu.memory_space<vmem>>, vector<1x16xf32>,
    %get3A_130 = vector.shape_cast %get3A_129 : vector<1x16xf32> to vector<16xf32>
    %add3A_131 = arith.addf %add3A_125, %get3A_130 : vector<16xf32>
    %get3A_132 = arith.constant 9 : i32
    %get3A_133 = arith.index_cast %get3A_132 : i32 to index
    %get3A_134 = arith.constant 16 : index
    %get3A_135 = tpu.vector_load %arg8[%get3A_133, %get3A_134] {strides = array<i32>} : memref<40x32xf32, #tpu.memory_space<vmem>>, vector<1x16xf32>,
    %get3A_136 = vector.shape_cast %get3A_135 : vector<1x16xf32> to vector<16xf32>
    %add3A_137 = arith.addf %add3A_131, %get3A_136 : vector<16xf32>
    %mul3A_138 = arith.constant 1.000000e-01 : f32
    %mul3A_139 = vector.broadcast %mul3A_138 : f32 to vector<16xf32>
    %mul3A_140 = arith.mulf %add3A_137, %mul3A_139 : vector<16xf32>
    %swap3A_141 = arith.constant 0 : i32
    %swap3A_142 = arith.index_cast %swap3A_141 : i32 to index
    %swap3A_143 = arith.constant 16 : index
    %swap3A_144 = tpu.vector_load %arg10[%swap3A_142, %swap3A_143] {strides = array<i32>} : memref<4x32xf32, #tpu.memory_space<vmem>>, vector<1x16xf32>,
    %swap3A_145 = vector.shape_cast %swap3A_144 : vector<1x16xf32> to vector<16xf32>
    %swap3A_146 = vector.shape_cast %mul3A_140 : vector<16xf32> to vector<1x16xf32>
    tpu.vector_store %arg10[%swap3A_142, %swap3A_143], %swap3A_146 {strides = array<i32>} : memref<4x32xf32, #tpu.memory_space<vmem>>, vector<1x16xf32>,
    %get3A_147 = arith.constant 0 : i32
    %get3A_148 = arith.index_cast %get3A_147 : i32 to index
    %get3A_149 = arith.constant 0 : index
    %get3A_150 = tpu.vector_load %arg9[%get3A_148, %get3A_149] {strides = array<i32>} : memref<40x16xf32, #tpu.memory_space<vmem>>, vector<1x16xf32>,
    %get3A_151 = vector.shape_cast %get3A_150 : vector<1x16xf32> to vector<16xf32>
    %get3A_152 = arith.constant 1 : i32
    %get3A_153 = arith.index_cast %get3A_152 : i32 to index
    %get3A_154 = arith.constant 0 : index
    %get3A_155 = tpu.vector_load %arg9[%get3A_153, %get3A_154] {strides = array<i32>} : memref<40x16xf32, #tpu.memory_space<vmem>>, vector<1x16xf32>,
    %get3A_156 = vector.shape_cast %get3A_155 : vector<1x16xf32> to vector<16xf32>
    %add3A_157 = arith.addf %get3A_151, %get3A_156 : vector<16xf32>
    %get3A_158 = arith.constant 2 : i32
    %get3A_159 = arith.index_cast %get3A_158 : i32 to index
    %get3A_160 = arith.constant 0 : index
    %get3A_161 = tpu.vector_load %arg9[%get3A_159, %get3A_160] {strides = array<i32>} : memref<40x16xf32, #tpu.memory_space<vmem>>, vector<1x16xf32>,
    %get3A_162 = vector.shape_cast %get3A_161 : vector<1x16xf32> to vector<16xf32>
    %add3A_163 = arith.addf %add3A_157, %get3A_162 : vector<16xf32>
    %get3A_164 = arith.constant 3 : i32
    %get3A_165 = arith.index_cast %get3A_164 : i32 to index
    %get3A_166 = arith.constant 0 : index
    %get3A_167 = tpu.vector_load %arg9[%get3A_165, %get3A_166] {strides = array<i32>} : memref<40x16xf32, #tpu.memory_space<vmem>>, vector<1x16xf32>,
    %get3A_168 = vector.shape_cast %get3A_167 : vector<1x16xf32> to vector<16xf32>
    %add3A_169 = arith.addf %add3A_163, %get3A_168 : vector<16xf32>
    %get3A_170 = arith.constant 4 : i32
    %get3A_171 = arith.index_cast %get3A_170 : i32 to index
    %get3A_172 = arith.constant 0 : index
    %get3A_173 = tpu.vector_load %arg9[%get3A_171, %get3A_172] {strides = array<i32>} : memref<40x16xf32, #tpu.memory_space<vmem>>, vector<1x16xf32>,
    %get3A_174 = vector.shape_cast %get3A_173 : vector<1x16xf32> to vector<16xf32>
    %add3A_175 = arith.addf %add3A_169, %get3A_174 : vector<16xf32>
    %get3A_176 = arith.constant 5 : i32
    %get3A_177 = arith.index_cast %get3A_176 : i32 to index
    %get3A_178 = arith.constant 0 : index
    %get3A_179 = tpu.vector_load %arg9[%get3A_177, %get3A_178] {strides = array<i32>} : memref<40x16xf32, #tpu.memory_space<vmem>>, vector<1x16xf32>,
    %get3A_180 = vector.shape_cast %get3A_179 : vector<1x16xf32> to vector<16xf32>
    %add3A_181 = arith.addf %add3A_175, %get3A_180 : vector<16xf32>
    %get3A_182 = arith.constant 6 : i32
    %get3A_183 = arith.index_cast %get3A_182 : i32 to index
    %get3A_184 = arith.constant 0 : index
    %get3A_185 = tpu.vector_load %arg9[%get3A_183, %get3A_184] {strides = array<i32>} : memref<40x16xf32, #tpu.memory_space<vmem>>, vector<1x16xf32>,
    %get3A_186 = vector.shape_cast %get3A_185 : vector<1x16xf32> to vector<16xf32>
    %add3A_187 = arith.addf %add3A_181, %get3A_186 : vector<16xf32>
    %get3A_188 = arith.constant 7 : i32
    %get3A_189 = arith.index_cast %get3A_188 : i32 to index
    %get3A_190 = arith.constant 0 : index
    %get3A_191 = tpu.vector_load %arg9[%get3A_189, %get3A_190] {strides = array<i32>} : memref<40x16xf32, #tpu.memory_space<vmem>>, vector<1x16xf32>,
    %get3A_192 = vector.shape_cast %get3A_191 : vector<1x16xf32> to vector<16xf32>
    %add3A_193 = arith.addf %add3A_187, %get3A_192 : vector<16xf32>
    %get3A_194 = arith.constant 8 : i32
    %get3A_195 = arith.index_cast %get3A_194 : i32 to index
    %get3A_196 = arith.constant 0 : index
    %get3A_197 = tpu.vector_load %arg9[%get3A_195, %get3A_196] {strides = array<i32>} : memref<40x16xf32, #tpu.memory_space<vmem>>, vector<1x16xf32>,
    %get3A_198 = vector.shape_cast %get3A_197 : vector<1x16xf32> to vector<16xf32>
    %add3A_199 = arith.addf %add3A_193, %get3A_198 : vector<16xf32>
    %get3A_200 = arith.constant 9 : i32
    %get3A_201 = arith.index_cast %get3A_200 : i32 to index
    %get3A_202 = arith.constant 0 : index
    %get3A_203 = tpu.vector_load %arg9[%get3A_201, %get3A_202] {strides = array<i32>} : memref<40x16xf32, #tpu.memory_space<vmem>>, vector<1x16xf32>,
    %get3A_204 = vector.shape_cast %get3A_203 : vector<1x16xf32> to vector<16xf32>
    %add3A_205 = arith.addf %add3A_199, %get3A_204 : vector<16xf32>
    %mul3A_206 = arith.constant 1.000000e-01 : f32
    %mul3A_207 = vector.broadcast %mul3A_206 : f32 to vector<16xf32>
    %mul3A_208 = arith.mulf %add3A_205, %mul3A_207 : vector<16xf32>
    %swap3A_209 = arith.constant 0 : i32
    %swap3A_210 = arith.index_cast %swap3A_209 : i32 to index
    %swap3A_211 = arith.constant 0 : index
    %swap3A_212 = tpu.vector_load %arg11[%swap3A_210, %swap3A_211] {strides = array<i32>} : memref<4x16xf32, #tpu.memory_space<vmem>>, vector<1x16xf32>,
    %swap3A_213 = vector.shape_cast %swap3A_212 : vector<1x16xf32> to vector<16xf32>
    %swap3A_214 = vector.shape_cast %mul3A_208 : vector<16xf32> to vector<1x16xf32>
    tpu.vector_store %arg11[%swap3A_210, %swap3A_211], %swap3A_214 {strides = array<i32>} : memref<4x16xf32, #tpu.memory_space<vmem>>, vector<1x16xf32>,
    %get3A_215 = arith.constant 10 : i32
    %get3A_216 = arith.index_cast %get3A_215 : i32 to index
    %get3A_217 = arith.constant 0 : index
    %get3A_218 = tpu.vector_load %arg8[%get3A_216, %get3A_217] {strides = array<i32>} : memref<40x32xf32, #tpu.memory_space<vmem>>, vector<1x16xf32>,
    %get3A_219 = vector.shape_cast %get3A_218 : vector<1x16xf32> to vector<16xf32>
    %get3A_220 = arith.constant 11 : i32
    %get3A_221 = arith.index_cast %get3A_220 : i32 to index
    %get3A_222 = arith.constant 0 : index
    %get3A_223 = tpu.vector_load %arg8[%get3A_221, %get3A_222] {strides = array<i32>} : memref<40x32xf32, #tpu.memory_space<vmem>>, vector<1x16xf32>,
    %get3A_224 = vector.shape_cast %get3A_223 : vector<1x16xf32> to vector<16xf32>
    %add3A_225 = arith.addf %get3A_219, %get3A_224 : vector<16xf32>
    %get3A_226 = arith.constant 12 : i32
    %get3A_227 = arith.index_cast %get3A_226 : i32 to index
    %get3A_228 = arith.constant 0 : index
    %get3A_229 = tpu.vector_load %arg8[%get3A_227, %get3A_228] {strides = array<i32>} : memref<40x32xf32, #tpu.memory_space<vmem>>, vector<1x16xf32>,
    %get3A_230 = vector.shape_cast %get3A_229 : vector<1x16xf32> to vector<16xf32>
    %add3A_231 = arith.addf %add3A_225, %get3A_230 : vector<16xf32>
    %get3A_232 = arith.constant 13 : i32
    %get3A_233 = arith.index_cast %get3A_232 : i32 to index
    %get3A_234 = arith.constant 0 : index
    %get3A_235 = tpu.vector_load %arg8[%get3A_233, %get3A_234] {strides = array<i32>} : memref<40x32xf32, #tpu.memory_space<vmem>>, vector<1x16xf32>,
    %get3A_236 = vector.shape_cast %get3A_235 : vector<1x16xf32> to vector<16xf32>
    %add3A_237 = arith.addf %add3A_231, %get3A_236 : vector<16xf32>
    %get3A_238 = arith.constant 14 : i32
    %get3A_239 = arith.index_cast %get3A_238 : i32 to index
    %get3A_240 = arith.constant 0 : index
    %get3A_241 = tpu.vector_load %arg8[%get3A_239, %get3A_240] {strides = array<i32>} : memref<40x32xf32, #tpu.memory_space<vmem>>, vector<1x16xf32>,
    %get3A_242 = vector.shape_cast %get3A_241 : vector<1x16xf32> to vector<16xf32>
    %add3A_243 = arith.addf %add3A_237, %get3A_242 : vector<16xf32>
    %get3A_244 = arith.constant 15 : i32
    %get3A_245 = arith.index_cast %get3A_244 : i32 to index
    %get3A_246 = arith.constant 0 : index
    %get3A_247 = tpu.vector_load %arg8[%get3A_245, %get3A_246] {strides = array<i32>} : memref<40x32xf32, #tpu.memory_space<vmem>>, vector<1x16xf32>,
    %get3A_248 = vector.shape_cast %get3A_247 : vector<1x16xf32> to vector<16xf32>
    %add3A_249 = arith.addf %add3A_243, %get3A_248 : vector<16xf32>
    %get3A_250 = arith.constant 16 : i32
    %get3A_251 = arith.index_cast %get3A_250 : i32 to index
    %get3A_252 = arith.constant 0 : index
    %get3A_253 = tpu.vector_load %arg8[%get3A_251, %get3A_252] {strides = array<i32>} : memref<40x32xf32, #tpu.memory_space<vmem>>, vector<1x16xf32>,
    %get3A_254 = vector.shape_cast %get3A_253 : vector<1x16xf32> to vector<16xf32>
    %add3A_255 = arith.addf %add3A_249, %get3A_254 : vector<16xf32>
    %get3A_256 = arith.constant 17 : i32
    %get3A_257 = arith.index_cast %get3A_256 : i32 to index
    %get3A_258 = arith.constant 0 : index
    %get3A_259 = tpu.vector_load %arg8[%get3A_257, %get3A_258] {strides = array<i32>} : memref<40x32xf32, #tpu.memory_space<vmem>>, vector<1x16xf32>,
    %get3A_260 = vector.shape_cast %get3A_259 : vector<1x16xf32> to vector<16xf32>
    %add3A_261 = arith.addf %add3A_255, %get3A_260 : vector<16xf32>
    %get3A_262 = arith.constant 18 : i32
    %get3A_263 = arith.index_cast %get3A_262 : i32 to index
    %get3A_264 = arith.constant 0 : index
    %get3A_265 = tpu.vector_load %arg8[%get3A_263, %get3A_264] {strides = array<i32>} : memref<40x32xf32, #tpu.memory_space<vmem>>, vector<1x16xf32>,
    %get3A_266 = vector.shape_cast %get3A_265 : vector<1x16xf32> to vector<16xf32>
    %add3A_267 = arith.addf %add3A_261, %get3A_266 : vector<16xf32>
    %get3A_268 = arith.constant 19 : i32
    %get3A_269 = arith.index_cast %get3A_268 : i32 to index
    %get3A_270 = arith.constant 0 : index
    %get3A_271 = tpu.vector_load %arg8[%get3A_269, %get3A_270] {strides = array<i32>} : memref<40x32xf32, #tpu.memory_space<vmem>>, vector<1x16xf32>,
    %get3A_272 = vector.shape_cast %get3A_271 : vector<1x16xf32> to vector<16xf32>
    %add3A_273 = arith.addf %add3A_267, %get3A_272 : vector<16xf32>
    %mul3A_274 = arith.constant 1.000000e-01 : f32
    %mul3A_275 = vector.broadcast %mul3A_274 : f32 to vector<16xf32>
    %mul3A_276 = arith.mulf %add3A_273, %mul3A_275 : vector<16xf32>
    %swap3A_277 = arith.constant 1 : i32
    %swap3A_278 = arith.index_cast %swap3A_277 : i32 to index
    %swap3A_279 = arith.constant 0 : index
    %swap3A_280 = tpu.vector_load %arg10[%swap3A_278, %swap3A_279] {strides = array<i32>} : memref<4x32xf32, #tpu.memory_space<vmem>>, vector<1x16xf32>,
    %swap3A_281 = vector.shape_cast %swap3A_280 : vector<1x16xf32> to vector<16xf32>
    %swap3A_282 = vector.shape_cast %mul3A_276 : vector<16xf32> to vector<1x16xf32>
    tpu.vector_store %arg10[%swap3A_278, %swap3A_279], %swap3A_282 {strides = array<i32>} : memref<4x32xf32, #tpu.memory_space<vmem>>, vector<1x16xf32>,
    %get3A_283 = arith.constant 10 : i32
    %get3A_284 = arith.index_cast %get3A_283 : i32 to index
    %get3A_285 = arith.constant 16 : index
    %get3A_286 = tpu.vector_load %arg8[%get3A_284, %get3A_285] {strides = array<i32>} : memref<40x32xf32, #tpu.memory_space<vmem>>, vector<1x16xf32>,
    %get3A_287 = vector.shape_cast %get3A_286 : vector<1x16xf32> to vector<16xf32>
    %get3A_288 = arith.constant 11 : i32
    %get3A_289 = arith.index_cast %get3A_288 : i32 to index
    %get3A_290 = arith.constant 16 : index
    %get3A_291 = tpu.vector_load %arg8[%get3A_289, %get3A_290] {strides = array<i32>} : memref<40x32xf32, #tpu.memory_space<vmem>>, vector<1x16xf32>,
    %get3A_292 = vector.shape_cast %get3A_291 : vector<1x16xf32> to vector<16xf32>
    %add3A_293 = arith.addf %get3A_287, %get3A_292 : vector<16xf32>
    %get3A_294 = arith.constant 12 : i32
    %get3A_295 = arith.index_cast %get3A_294 : i32 to index
    %get3A_296 = arith.constant 16 : index
    %get3A_297 = tpu.vector_load %arg8[%get3A_295, %get3A_296] {strides = array<i32>} : memref<40x32xf32, #tpu.memory_space<vmem>>, vector<1x16xf32>,
    %get3A_298 = vector.shape_cast %get3A_297 : vector<1x16xf32> to vector<16xf32>
    %add3A_299 = arith.addf %add3A_293, %get3A_298 : vector<16xf32>
    %get3A_300 = arith.constant 13 : i32
    %get3A_301 = arith.index_cast %get3A_300 : i32 to index
    %get3A_302 = arith.constant 16 : index
    %get3A_303 = tpu.vector_load %arg8[%get3A_301, %get3A_302] {strides = array<i32>} : memref<40x32xf32, #tpu.memory_space<vmem>>, vector<1x16xf32>,
    %get3A_304 = vector.shape_cast %get3A_303 : vector<1x16xf32> to vector<16xf32>
    %add3A_305 = arith.addf %add3A_299, %get3A_304 : vector<16xf32>
    %get3A_306 = arith.constant 14 : i32
    %get3A_307 = arith.index_cast %get3A_306 : i32 to index
    %get3A_308 = arith.constant 16 : index
    %get3A_309 = tpu.vector_load %arg8[%get3A_307, %get3A_308] {strides = array<i32>} : memref<40x32xf32, #tpu.memory_space<vmem>>, vector<1x16xf32>,
    %get3A_310 = vector.shape_cast %get3A_309 : vector<1x16xf32> to vector<16xf32>
    %add3A_311 = arith.addf %add3A_305, %get3A_310 : vector<16xf32>
    %get3A_312 = arith.constant 15 : i32
    %get3A_313 = arith.index_cast %get3A_312 : i32 to index
    %get3A_314 = arith.constant 16 : index
    %get3A_315 = tpu.vector_load %arg8[%get3A_313, %get3A_314] {strides = array<i32>} : memref<40x32xf32, #tpu.memory_space<vmem>>, vector<1x16xf32>,
    %get3A_316 = vector.shape_cast %get3A_315 : vector<1x16xf32> to vector<16xf32>
    %add3A_317 = arith.addf %add3A_311, %get3A_316 : vector<16xf32>
    %get3A_318 = arith.constant 16 : i32
    %get3A_319 = arith.index_cast %get3A_318 : i32 to index
    %get3A_320 = arith.constant 16 : index
    %get3A_321 = tpu.vector_load %arg8[%get3A_319, %get3A_320] {strides = array<i32>} : memref<40x32xf32, #tpu.memory_space<vmem>>, vector<1x16xf32>,
    %get3A_322 = vector.shape_cast %get3A_321 : vector<1x16xf32> to vector<16xf32>
    %add3A_323 = arith.addf %add3A_317, %get3A_322 : vector<16xf32>
    %get3A_324 = arith.constant 17 : i32
    %get3A_325 = arith.index_cast %get3A_324 : i32 to index
    %get3A_326 = arith.constant 16 : index
    %get3A_327 = tpu.vector_load %arg8[%get3A_325, %get3A_326] {strides = array<i32>} : memref<40x32xf32, #tpu.memory_space<vmem>>, vector<1x16xf32>,
    %get3A_328 = vector.shape_cast %get3A_327 : vector<1x16xf32> to vector<16xf32>
    %add3A_329 = arith.addf %add3A_323, %get3A_328 : vector<16xf32>
    %get3A_330 = arith.constant 18 : i32
    %get3A_331 = arith.index_cast %get3A_330 : i32 to index
    %get3A_332 = arith.constant 16 : index
    %get3A_333 = tpu.vector_load %arg8[%get3A_331, %get3A_332] {strides = array<i32>} : memref<40x32xf32, #tpu.memory_space<vmem>>, vector<1x16xf32>,
    %get3A_334 = vector.shape_cast %get3A_333 : vector<1x16xf32> to vector<16xf32>
    %add3A_335 = arith.addf %add3A_329, %get3A_334 : vector<16xf32>
    %get3A_336 = arith.constant 19 : i32
    %get3A_337 = arith.index_cast %get3A_336 : i32 to index
    %get3A_338 = arith.constant 16 : index
    %get3A_339 = tpu.vector_load %arg8[%get3A_337, %get3A_338] {strides = array<i32>} : memref<40x32xf32, #tpu.memory_space<vmem>>, vector<1x16xf32>,
    %get3A_340 = vector.shape_cast %get3A_339 : vector<1x16xf32> to vector<16xf32>
    %add3A_341 = arith.addf %add3A_335, %get3A_340 : vector<16xf32>
    %mul3A_342 = arith.constant 1.000000e-01 : f32
    %mul3A_343 = vector.broadcast %mul3A_342 : f32 to vector<16xf32>
    %mul3A_344 = arith.mulf %add3A_341, %mul3A_343 : vector<16xf32>
    %swap3A_345 = arith.constant 1 : i32
    %swap3A_346 = arith.index_cast %swap3A_345 : i32 to index
    %swap3A_347 = arith.constant 16 : index
    %swap3A_348 = tpu.vector_load %arg10[%swap3A_346, %swap3A_347] {strides = array<i32>} : memref<4x32xf32, #tpu.memory_space<vmem>>, vector<1x16xf32>,
    %swap3A_349 = vector.shape_cast %swap3A_348 : vector<1x16xf32> to vector<16xf32>
    %swap3A_350 = vector.shape_cast %mul3A_344 : vector<16xf32> to vector<1x16xf32>
    tpu.vector_store %arg10[%swap3A_346, %swap3A_347], %swap3A_350 {strides = array<i32>} : memref<4x32xf32, #tpu.memory_space<vmem>>, vector<1x16xf32>,
    %get3A_351 = arith.constant 10 : i32
    %get3A_352 = arith.index_cast %get3A_351 : i32 to index
    %get3A_353 = arith.constant 0 : index
    %get3A_354 = tpu.vector_load %arg9[%get3A_352, %get3A_353] {strides = array<i32>} : memref<40x16xf32, #tpu.memory_space<vmem>>, vector<1x16xf32>,
    %get3A_355 = vector.shape_cast %get3A_354 : vector<1x16xf32> to vector<16xf32>
    %get3A_356 = arith.constant 11 : i32
    %get3A_357 = arith.index_cast %get3A_356 : i32 to index
    %get3A_358 = arith.constant 0 : index
    %get3A_359 = tpu.vector_load %arg9[%get3A_357, %get3A_358] {strides = array<i32>} : memref<40x16xf32, #tpu.memory_space<vmem>>, vector<1x16xf32>,
    %get3A_360 = vector.shape_cast %get3A_359 : vector<1x16xf32> to vector<16xf32>
    %add3A_361 = arith.addf %get3A_355, %get3A_360 : vector<16xf32>
    %get3A_362 = arith.constant 12 : i32
    %get3A_363 = arith.index_cast %get3A_362 : i32 to index
    %get3A_364 = arith.constant 0 : index
    %get3A_365 = tpu.vector_load %arg9[%get3A_363, %get3A_364] {strides = array<i32>} : memref<40x16xf32, #tpu.memory_space<vmem>>, vector<1x16xf32>,
    %get3A_366 = vector.shape_cast %get3A_365 : vector<1x16xf32> to vector<16xf32>
    %add3A_367 = arith.addf %add3A_361, %get3A_366 : vector<16xf32>
    %get3A_368 = arith.constant 13 : i32
    %get3A_369 = arith.index_cast %get3A_368 : i32 to index
    %get3A_370 = arith.constant 0 : index
    %get3A_371 = tpu.vector_load %arg9[%get3A_369, %get3A_370] {strides = array<i32>} : memref<40x16xf32, #tpu.memory_space<vmem>>, vector<1x16xf32>,
    %get3A_372 = vector.shape_cast %get3A_371 : vector<1x16xf32> to vector<16xf32>
    %add3A_373 = arith.addf %add3A_367, %get3A_372 : vector<16xf32>
    %get3A_374 = arith.constant 14 : i32
    %get3A_375 = arith.index_cast %get3A_374 : i32 to index
    %get3A_376 = arith.constant 0 : index
    %get3A_377 = tpu.vector_load %arg9[%get3A_375, %get3A_376] {strides = array<i32>} : memref<40x16xf32, #tpu.memory_space<vmem>>, vector<1x16xf32>,
    %get3A_378 = vector.shape_cast %get3A_377 : vector<1x16xf32> to vector<16xf32>
    %add3A_379 = arith.addf %add3A_373, %get3A_378 : vector<16xf32>
    %get3A_380 = arith.constant 15 : i32
    %get3A_381 = arith.index_cast %get3A_380 : i32 to index
    %get3A_382 = arith.constant 0 : index
    %get3A_383 = tpu.vector_load %arg9[%get3A_381, %get3A_382] {strides = array<i32>} : memref<40x16xf32, #tpu.memory_space<vmem>>, vector<1x16xf32>,
    %get3A_384 = vector.shape_cast %get3A_383 : vector<1x16xf32> to vector<16xf32>
    %add3A_385 = arith.addf %add3A_379, %get3A_384 : vector<16xf32>
    %get3A_386 = arith.constant 16 : i32
    %get3A_387 = arith.index_cast %get3A_386 : i32 to index
    %get3A_388 = arith.constant 0 : index
    %get3A_389 = tpu.vector_load %arg9[%get3A_387, %get3A_388] {strides = array<i32>} : memref<40x16xf32, #tpu.memory_space<vmem>>, vector<1x16xf32>,
    %get3A_390 = vector.shape_cast %get3A_389 : vector<1x16xf32> to vector<16xf32>
    %add3A_391 = arith.addf %add3A_385, %get3A_390 : vector<16xf32>
    %get3A_392 = arith.constant 17 : i32
    %get3A_393 = arith.index_cast %get3A_392 : i32 to index
    %get3A_394 = arith.constant 0 : index
    %get3A_395 = tpu.vector_load %arg9[%get3A_393, %get3A_394] {strides = array<i32>} : memref<40x16xf32, #tpu.memory_space<vmem>>, vector<1x16xf32>,
    %get3A_396 = vector.shape_cast %get3A_395 : vector<1x16xf32> to vector<16xf32>
    %add3A_397 = arith.addf %add3A_391, %get3A_396 : vector<16xf32>
    %get3A_398 = arith.constant 18 : i32
    %get3A_399 = arith.index_cast %get3A_398 : i32 to index
    %get3A_400 = arith.constant 0 : index
    %get3A_401 = tpu.vector_load %arg9[%get3A_399, %get3A_400] {strides = array<i32>} : memref<40x16xf32, #tpu.memory_space<vmem>>, vector<1x16xf32>,
    %get3A_402 = vector.shape_cast %get3A_401 : vector<1x16xf32> to vector<16xf32>
    %add3A_403 = arith.addf %add3A_397, %get3A_402 : vector<16xf32>
    %get3A_404 = arith.constant 19 : i32
    %get3A_405 = arith.index_cast %get3A_404 : i32 to index
    %get3A_406 = arith.constant 0 : index
    %get3A_407 = tpu.vector_load %arg9[%get3A_405, %get3A_406] {strides = array<i32>} : memref<40x16xf32, #tpu.memory_space<vmem>>, vector<1x16xf32>,
    %get3A_408 = vector.shape_cast %get3A_407 : vector<1x16xf32> to vector<16xf32>
    %add3A_409 = arith.addf %add3A_403, %get3A_408 : vector<16xf32>
    %mul3A_410 = arith.constant 1.000000e-01 : f32
    %mul3A_411 = vector.broadcast %mul3A_410 : f32 to vector<16xf32>
    %mul3A_412 = arith.mulf %add3A_409, %mul3A_411 : vector<16xf32>
    %swap3A_413 = arith.constant 1 : i32
    %swap3A_414 = arith.index_cast %swap3A_413 : i32 to index
    %swap3A_415 = arith.constant 0 : index
    %swap3A_416 = tpu.vector_load %arg11[%swap3A_414, %swap3A_415] {strides = array<i32>} : memref<4x16xf32, #tpu.memory_space<vmem>>, vector<1x16xf32>,
    %swap3A_417 = vector.shape_cast %swap3A_416 : vector<1x16xf32> to vector<16xf32>
    %swap3A_418 = vector.shape_cast %mul3A_412 : vector<16xf32> to vector<1x16xf32>
    tpu.vector_store %arg11[%swap3A_414, %swap3A_415], %swap3A_418 {strides = array<i32>} : memref<4x16xf32, #tpu.memory_space<vmem>>, vector<1x16xf32>,
    %get3A_419 = arith.constant 20 : i32
    %get3A_420 = arith.index_cast %get3A_419 : i32 to index
    %get3A_421 = arith.constant 0 : index
    %get3A_422 = tpu.vector_load %arg8[%get3A_420, %get3A_421] {strides = array<i32>} : memref<40x32xf32, #tpu.memory_space<vmem>>, vector<1x16xf32>,
    %get3A_423 = vector.shape_cast %get3A_422 : vector<1x16xf32> to vector<16xf32>
    %get3A_424 = arith.constant 21 : i32
    %get3A_425 = arith.index_cast %get3A_424 : i32 to index
    %get3A_426 = arith.constant 0 : index
    %get3A_427 = tpu.vector_load %arg8[%get3A_425, %get3A_426] {strides = array<i32>} : memref<40x32xf32, #tpu.memory_space<vmem>>, vector<1x16xf32>,
    %get3A_428 = vector.shape_cast %get3A_427 : vector<1x16xf32> to vector<16xf32>
    %add3A_429 = arith.addf %get3A_423, %get3A_428 : vector<16xf32>
    %get3A_430 = arith.constant 22 : i32
    %get3A_431 = arith.index_cast %get3A_430 : i32 to index
    %get3A_432 = arith.constant 0 : index
    %get3A_433 = tpu.vector_load %arg8[%get3A_431, %get3A_432] {strides = array<i32>} : memref<40x32xf32, #tpu.memory_space<vmem>>, vector<1x16xf32>,
    %get3A_434 = vector.shape_cast %get3A_433 : vector<1x16xf32> to vector<16xf32>
    %add3A_435 = arith.addf %add3A_429, %get3A_434 : vector<16xf32>
    %get3A_436 = arith.constant 23 : i32
    %get3A_437 = arith.index_cast %get3A_436 : i32 to index
    %get3A_438 = arith.constant 0 : index
    %get3A_439 = tpu.vector_load %arg8[%get3A_437, %get3A_438] {strides = array<i32>} : memref<40x32xf32, #tpu.memory_space<vmem>>, vector<1x16xf32>,
    %get3A_440 = vector.shape_cast %get3A_439 : vector<1x16xf32> to vector<16xf32>
    %add3A_441 = arith.addf %add3A_435, %get3A_440 : vector<16xf32>
    %get3A_442 = arith.constant 24 : i32
    %get3A_443 = arith.index_cast %get3A_442 : i32 to index
    %get3A_444 = arith.constant 0 : index
    %get3A_445 = tpu.vector_load %arg8[%get3A_443, %get3A_444] {strides = array<i32>} : memref<40x32xf32, #tpu.memory_space<vmem>>, vector<1x16xf32>,
    %get3A_446 = vector.shape_cast %get3A_445 : vector<1x16xf32> to vector<16xf32>
    %add3A_447 = arith.addf %add3A_441, %get3A_446 : vector<16xf32>
    %get3A_448 = arith.constant 25 : i32
    %get3A_449 = arith.index_cast %get3A_448 : i32 to index
    %get3A_450 = arith.constant 0 : index
    %get3A_451 = tpu.vector_load %arg8[%get3A_449, %get3A_450] {strides = array<i32>} : memref<40x32xf32, #tpu.memory_space<vmem>>, vector<1x16xf32>,
    %get3A_452 = vector.shape_cast %get3A_451 : vector<1x16xf32> to vector<16xf32>
    %add3A_453 = arith.addf %add3A_447, %get3A_452 : vector<16xf32>
    %get3A_454 = arith.constant 26 : i32
    %get3A_455 = arith.index_cast %get3A_454 : i32 to index
    %get3A_456 = arith.constant 0 : index
    %get3A_457 = tpu.vector_load %arg8[%get3A_455, %get3A_456] {strides = array<i32>} : memref<40x32xf32, #tpu.memory_space<vmem>>, vector<1x16xf32>,
    %get3A_458 = vector.shape_cast %get3A_457 : vector<1x16xf32> to vector<16xf32>
    %add3A_459 = arith.addf %add3A_453, %get3A_458 : vector<16xf32>
    %get3A_460 = arith.constant 27 : i32
    %get3A_461 = arith.index_cast %get3A_460 : i32 to index
    %get3A_462 = arith.constant 0 : index
    %get3A_463 = tpu.vector_load %arg8[%get3A_461, %get3A_462] {strides = array<i32>} : memref<40x32xf32, #tpu.memory_space<vmem>>, vector<1x16xf32>,
    %get3A_464 = vector.shape_cast %get3A_463 : vector<1x16xf32> to vector<16xf32>
    %add3A_465 = arith.addf %add3A_459, %get3A_464 : vector<16xf32>
    %get3A_466 = arith.constant 28 : i32
    %get3A_467 = arith.index_cast %get3A_466 : i32 to index
    %get3A_468 = arith.constant 0 : index
    %get3A_469 = tpu.vector_load %arg8[%get3A_467, %get3A_468] {strides = array<i32>} : memref<40x32xf32, #tpu.memory_space<vmem>>, vector<1x16xf32>,
    %get3A_470 = vector.shape_cast %get3A_469 : vector<1x16xf32> to vector<16xf32>
    %add3A_471 = arith.addf %add3A_465, %get3A_470 : vector<16xf32>
    %get3A_472 = arith.constant 29 : i32
    %get3A_473 = arith.index_cast %get3A_472 : i32 to index
    %get3A_474 = arith.constant 0 : index
    %get3A_475 = tpu.vector_load %arg8[%get3A_473, %get3A_474] {strides = array<i32>} : memref<40x32xf32, #tpu.memory_space<vmem>>, vector<1x16xf32>,
    %get3A_476 = vector.shape_cast %get3A_475 : vector<1x16xf32> to vector<16xf32>
    %add3A_477 = arith.addf %add3A_471, %get3A_476 : vector<16xf32>
    %mul3A_478 = arith.constant 1.000000e-01 : f32
    %mul3A_479 = vector.broadcast %mul3A_478 : f32 to vector<16xf32>
    %mul3A_480 = arith.mulf %add3A_477, %mul3A_479 : vector<16xf32>
    %swap3A_481 = arith.constant 2 : i32
    %swap3A_482 = arith.index_cast %swap3A_481 : i32 to index
    %swap3A_483 = arith.constant 0 : index
    %swap3A_484 = tpu.vector_load %arg10[%swap3A_482, %swap3A_483] {strides = array<i32>} : memref<4x32xf32, #tpu.memory_space<vmem>>, vector<1x16xf32>,
    %swap3A_485 = vector.shape_cast %swap3A_484 : vector<1x16xf32> to vector<16xf32>
    %swap3A_486 = vector.shape_cast %mul3A_480 : vector<16xf32> to vector<1x16xf32>
    tpu.vector_store %arg10[%swap3A_482, %swap3A_483], %swap3A_486 {strides = array<i32>} : memref<4x32xf32, #tpu.memory_space<vmem>>, vector<1x16xf32>,
    %get3A_487 = arith.constant 20 : i32
    %get3A_488 = arith.index_cast %get3A_487 : i32 to index
    %get3A_489 = arith.constant 16 : index
    %get3A_490 = tpu.vector_load %arg8[%get3A_488, %get3A_489] {strides = array<i32>} : memref<40x32xf32, #tpu.memory_space<vmem>>, vector<1x16xf32>,
    %get3A_491 = vector.shape_cast %get3A_490 : vector<1x16xf32> to vector<16xf32>
    %get3A_492 = arith.constant 21 : i32
    %get3A_493 = arith.index_cast %get3A_492 : i32 to index
    %get3A_494 = arith.constant 16 : index
    %get3A_495 = tpu.vector_load %arg8[%get3A_493, %get3A_494] {strides = array<i32>} : memref<40x32xf32, #tpu.memory_space<vmem>>, vector<1x16xf32>,
    %get3A_496 = vector.shape_cast %get3A_495 : vector<1x16xf32> to vector<16xf32>
    %add3A_497 = arith.addf %get3A_491, %get3A_496 : vector<16xf32>
    %get3A_498 = arith.constant 22 : i32
    %get3A_499 = arith.index_cast %get3A_498 : i32 to index
    %get3A_500 = arith.constant 16 : index
    %get3A_501 = tpu.vector_load %arg8[%get3A_499, %get3A_500] {strides = array<i32>} : memref<40x32xf32, #tpu.memory_space<vmem>>, vector<1x16xf32>,
    %get3A_502 = vector.shape_cast %get3A_501 : vector<1x16xf32> to vector<16xf32>
    %add3A_503 = arith.addf %add3A_497, %get3A_502 : vector<16xf32>
    %get3A_504 = arith.constant 23 : i32
    %get3A_505 = arith.index_cast %get3A_504 : i32 to index
    %get3A_506 = arith.constant 16 : index
    %get3A_507 = tpu.vector_load %arg8[%get3A_505, %get3A_506] {strides = array<i32>} : memref<40x32xf32, #tpu.memory_space<vmem>>, vector<1x16xf32>,
    %get3A_508 = vector.shape_cast %get3A_507 : vector<1x16xf32> to vector<16xf32>
    %add3A_509 = arith.addf %add3A_503, %get3A_508 : vector<16xf32>
    %get3A_510 = arith.constant 24 : i32
    %get3A_511 = arith.index_cast %get3A_510 : i32 to index
    %get3A_512 = arith.constant 16 : index
    %get3A_513 = tpu.vector_load %arg8[%get3A_511, %get3A_512] {strides = array<i32>} : memref<40x32xf32, #tpu.memory_space<vmem>>, vector<1x16xf32>,
    %get3A_514 = vector.shape_cast %get3A_513 : vector<1x16xf32> to vector<16xf32>
    %add3A_515 = arith.addf %add3A_509, %get3A_514 : vector<16xf32>
    %get3A_516 = arith.constant 25 : i32
    %get3A_517 = arith.index_cast %get3A_516 : i32 to index
    %get3A_518 = arith.constant 16 : index
    %get3A_519 = tpu.vector_load %arg8[%get3A_517, %get3A_518] {strides = array<i32>} : memref<40x32xf32, #tpu.memory_space<vmem>>, vector<1x16xf32>,
    %get3A_520 = vector.shape_cast %get3A_519 : vector<1x16xf32> to vector<16xf32>
    %add3A_521 = arith.addf %add3A_515, %get3A_520 : vector<16xf32>
    %get3A_522 = arith.constant 26 : i32
    %get3A_523 = arith.index_cast %get3A_522 : i32 to index
    %get3A_524 = arith.constant 16 : index
    %get3A_525 = tpu.vector_load %arg8[%get3A_523, %get3A_524] {strides = array<i32>} : memref<40x32xf32, #tpu.memory_space<vmem>>, vector<1x16xf32>,
    %get3A_526 = vector.shape_cast %get3A_525 : vector<1x16xf32> to vector<16xf32>
    %add3A_527 = arith.addf %add3A_521, %get3A_526 : vector<16xf32>
    %get3A_528 = arith.constant 27 : i32
    %get3A_529 = arith.index_cast %get3A_528 : i32 to index
    %get3A_530 = arith.constant 16 : index
    %get3A_531 = tpu.vector_load %arg8[%get3A_529, %get3A_530] {strides = array<i32>} : memref<40x32xf32, #tpu.memory_space<vmem>>, vector<1x16xf32>,
    %get3A_532 = vector.shape_cast %get3A_531 : vector<1x16xf32> to vector<16xf32>
    %add3A_533 = arith.addf %add3A_527, %get3A_532 : vector<16xf32>
    %get3A_534 = arith.constant 28 : i32
    %get3A_535 = arith.index_cast %get3A_534 : i32 to index
    %get3A_536 = arith.constant 16 : index
    %get3A_537 = tpu.vector_load %arg8[%get3A_535, %get3A_536] {strides = array<i32>} : memref<40x32xf32, #tpu.memory_space<vmem>>, vector<1x16xf32>,
    %get3A_538 = vector.shape_cast %get3A_537 : vector<1x16xf32> to vector<16xf32>
    %add3A_539 = arith.addf %add3A_533, %get3A_538 : vector<16xf32>
    %get3A_540 = arith.constant 29 : i32
    %get3A_541 = arith.index_cast %get3A_540 : i32 to index
    %get3A_542 = arith.constant 16 : index
    %get3A_543 = tpu.vector_load %arg8[%get3A_541, %get3A_542] {strides = array<i32>} : memref<40x32xf32, #tpu.memory_space<vmem>>, vector<1x16xf32>,
    %get3A_544 = vector.shape_cast %get3A_543 : vector<1x16xf32> to vector<16xf32>
    %add3A_545 = arith.addf %add3A_539, %get3A_544 : vector<16xf32>
    %mul3A_546 = arith.constant 1.000000e-01 : f32
    %mul3A_547 = vector.broadcast %mul3A_546 : f32 to vector<16xf32>
    %mul3A_548 = arith.mulf %add3A_545, %mul3A_547 : vector<16xf32>
    %swap3A_549 = arith.constant 2 : i32
    %swap3A_550 = arith.index_cast %swap3A_549 : i32 to index
    %swap3A_551 = arith.constant 16 : index
    %swap3A_552 = tpu.vector_load %arg10[%swap3A_550, %swap3A_551] {strides = array<i32>} : memref<4x32xf32, #tpu.memory_space<vmem>>, vector<1x16xf32>,
    %swap3A_553 = vector.shape_cast %swap3A_552 : vector<1x16xf32> to vector<16xf32>
    %swap3A_554 = vector.shape_cast %mul3A_548 : vector<16xf32> to vector<1x16xf32>
    tpu.vector_store %arg10[%swap3A_550, %swap3A_551], %swap3A_554 {strides = array<i32>} : memref<4x32xf32, #tpu.memory_space<vmem>>, vector<1x16xf32>,
    %get3A_555 = arith.constant 20 : i32
    %get3A_556 = arith.index_cast %get3A_555 : i32 to index
    %get3A_557 = arith.constant 0 : index
    %get3A_558 = tpu.vector_load %arg9[%get3A_556, %get3A_557] {strides = array<i32>} : memref<40x16xf32, #tpu.memory_space<vmem>>, vector<1x16xf32>,
    %get3A_559 = vector.shape_cast %get3A_558 : vector<1x16xf32> to vector<16xf32>
    %get3A_560 = arith.constant 21 : i32
    %get3A_561 = arith.index_cast %get3A_560 : i32 to index
    %get3A_562 = arith.constant 0 : index
    %get3A_563 = tpu.vector_load %arg9[%get3A_561, %get3A_562] {strides = array<i32>} : memref<40x16xf32, #tpu.memory_space<vmem>>, vector<1x16xf32>,
    %get3A_564 = vector.shape_cast %get3A_563 : vector<1x16xf32> to vector<16xf32>
    %add3A_565 = arith.addf %get3A_559, %get3A_564 : vector<16xf32>
    %get3A_566 = arith.constant 22 : i32
    %get3A_567 = arith.index_cast %get3A_566 : i32 to index
    %get3A_568 = arith.constant 0 : index
    %get3A_569 = tpu.vector_load %arg9[%get3A_567, %get3A_568] {strides = array<i32>} : memref<40x16xf32, #tpu.memory_space<vmem>>, vector<1x16xf32>,
    %get3A_570 = vector.shape_cast %get3A_569 : vector<1x16xf32> to vector<16xf32>
    %add3A_571 = arith.addf %add3A_565, %get3A_570 : vector<16xf32>
    %get3A_572 = arith.constant 23 : i32
    %get3A_573 = arith.index_cast %get3A_572 : i32 to index
    %get3A_574 = arith.constant 0 : index
    %get3A_575 = tpu.vector_load %arg9[%get3A_573, %get3A_574] {strides = array<i32>} : memref<40x16xf32, #tpu.memory_space<vmem>>, vector<1x16xf32>,
    %get3A_576 = vector.shape_cast %get3A_575 : vector<1x16xf32> to vector<16xf32>
    %add3A_577 = arith.addf %add3A_571, %get3A_576 : vector<16xf32>
    %get3A_578 = arith.constant 24 : i32
    %get3A_579 = arith.index_cast %get3A_578 : i32 to index
    %get3A_580 = arith.constant 0 : index
    %get3A_581 = tpu.vector_load %arg9[%get3A_579, %get3A_580] {strides = array<i32>} : memref<40x16xf32, #tpu.memory_space<vmem>>, vector<1x16xf32>,
    %get3A_582 = vector.shape_cast %get3A_581 : vector<1x16xf32> to vector<16xf32>
    %add3A_583 = arith.addf %add3A_577, %get3A_582 : vector<16xf32>
    %get3A_584 = arith.constant 25 : i32
    %get3A_585 = arith.index_cast %get3A_584 : i32 to index
    %get3A_586 = arith.constant 0 : index
    %get3A_587 = tpu.vector_load %arg9[%get3A_585, %get3A_586] {strides = array<i32>} : memref<40x16xf32, #tpu.memory_space<vmem>>, vector<1x16xf32>,
    %get3A_588 = vector.shape_cast %get3A_587 : vector<1x16xf32> to vector<16xf32>
    %add3A_589 = arith.addf %add3A_583, %get3A_588 : vector<16xf32>
    %get3A_590 = arith.constant 26 : i32
    %get3A_591 = arith.index_cast %get3A_590 : i32 to index
    %get3A_592 = arith.constant 0 : index
    %get3A_593 = tpu.vector_load %arg9[%get3A_591, %get3A_592] {strides = array<i32>} : memref<40x16xf32, #tpu.memory_space<vmem>>, vector<1x16xf32>,
    %get3A_594 = vector.shape_cast %get3A_593 : vector<1x16xf32> to vector<16xf32>
    %add3A_595 = arith.addf %add3A_589, %get3A_594 : vector<16xf32>
    %get3A_596 = arith.constant 27 : i32
    %get3A_597 = arith.index_cast %get3A_596 : i32 to index
    %get3A_598 = arith.constant 0 : index
    %get3A_599 = tpu.vector_load %arg9[%get3A_597, %get3A_598] {strides = array<i32>} : memref<40x16xf32, #tpu.memory_space<vmem>>, vector<1x16xf32>,
    %get3A_600 = vector.shape_cast %get3A_599 : vector<1x16xf32> to vector<16xf32>
    %add3A_601 = arith.addf %add3A_595, %get3A_600 : vector<16xf32>
    %get3A_602 = arith.constant 28 : i32
    %get3A_603 = arith.index_cast %get3A_602 : i32 to index
    %get3A_604 = arith.constant 0 : index
    %get3A_605 = tpu.vector_load %arg9[%get3A_603, %get3A_604] {strides = array<i32>} : memref<40x16xf32, #tpu.memory_space<vmem>>, vector<1x16xf32>,
    %get3A_606 = vector.shape_cast %get3A_605 : vector<1x16xf32> to vector<16xf32>
    %add3A_607 = arith.addf %add3A_601, %get3A_606 : vector<16xf32>
    %get3A_608 = arith.constant 29 : i32
    %get3A_609 = arith.index_cast %get3A_608 : i32 to index
    %get3A_610 = arith.constant 0 : index
    %get3A_611 = tpu.vector_load %arg9[%get3A_609, %get3A_610] {strides = array<i32>} : memref<40x16xf32, #tpu.memory_space<vmem>>, vector<1x16xf32>,
    %get3A_612 = vector.shape_cast %get3A_611 : vector<1x16xf32> to vector<16xf32>
    %add3A_613 = arith.addf %add3A_607, %get3A_612 : vector<16xf32>
    %mul3A_614 = arith.constant 1.000000e-01 : f32
    %mul3A_615 = vector.broadcast %mul3A_614 : f32 to vector<16xf32>
    %mul3A_616 = arith.mulf %add3A_613, %mul3A_615 : vector<16xf32>
    %swap3A_617 = arith.constant 2 : i32
    %swap3A_618 = arith.index_cast %swap3A_617 : i32 to index
    %swap3A_619 = arith.constant 0 : index
    %swap3A_620 = tpu.vector_load %arg11[%swap3A_618, %swap3A_619] {strides = array<i32>} : memref<4x16xf32, #tpu.memory_space<vmem>>, vector<1x16xf32>,
    %swap3A_621 = vector.shape_cast %swap3A_620 : vector<1x16xf32> to vector<16xf32>
    %swap3A_622 = vector.shape_cast %mul3A_616 : vector<16xf32> to vector<1x16xf32>
    tpu.vector_store %arg11[%swap3A_618, %swap3A_619], %swap3A_622 {strides = array<i32>} : memref<4x16xf32, #tpu.memory_space<vmem>>, vector<1x16xf32>,
    %get3A_623 = arith.constant 30 : i32
    %get3A_624 = arith.index_cast %get3A_623 : i32 to index
    %get3A_625 = arith.constant 0 : index
    %get3A_626 = tpu.vector_load %arg8[%get3A_624, %get3A_625] {strides = array<i32>} : memref<40x32xf32, #tpu.memory_space<vmem>>, vector<1x16xf32>,
    %get3A_627 = vector.shape_cast %get3A_626 : vector<1x16xf32> to vector<16xf32>
    %get3A_628 = arith.constant 31 : i32
    %get3A_629 = arith.index_cast %get3A_628 : i32 to index
    %get3A_630 = arith.constant 0 : index
    %get3A_631 = tpu.vector_load %arg8[%get3A_629, %get3A_630] {strides = array<i32>} : memref<40x32xf32, #tpu.memory_space<vmem>>, vector<1x16xf32>,
    %get3A_632 = vector.shape_cast %get3A_631 : vector<1x16xf32> to vector<16xf32>
    %add3A_633 = arith.addf %get3A_627, %get3A_632 : vector<16xf32>
    %get3A_634 = arith.constant 32 : i32
    %get3A_635 = arith.index_cast %get3A_634 : i32 to index
    %get3A_636 = arith.constant 0 : index
    %get3A_637 = tpu.vector_load %arg8[%get3A_635, %get3A_636] {strides = array<i32>} : memref<40x32xf32, #tpu.memory_space<vmem>>, vector<1x16xf32>,
    %get3A_638 = vector.shape_cast %get3A_637 : vector<1x16xf32> to vector<16xf32>
    %add3A_639 = arith.addf %add3A_633, %get3A_638 : vector<16xf32>
    %get3A_640 = arith.constant 33 : i32
    %get3A_641 = arith.index_cast %get3A_640 : i32 to index
    %get3A_642 = arith.constant 0 : index
    %get3A_643 = tpu.vector_load %arg8[%get3A_641, %get3A_642] {strides = array<i32>} : memref<40x32xf32, #tpu.memory_space<vmem>>, vector<1x16xf32>,
    %get3A_644 = vector.shape_cast %get3A_643 : vector<1x16xf32> to vector<16xf32>
    %add3A_645 = arith.addf %add3A_639, %get3A_644 : vector<16xf32>
    %get3A_646 = arith.constant 34 : i32
    %get3A_647 = arith.index_cast %get3A_646 : i32 to index
    %get3A_648 = arith.constant 0 : index
    %get3A_649 = tpu.vector_load %arg8[%get3A_647, %get3A_648] {strides = array<i32>} : memref<40x32xf32, #tpu.memory_space<vmem>>, vector<1x16xf32>,
    %get3A_650 = vector.shape_cast %get3A_649 : vector<1x16xf32> to vector<16xf32>
    %add3A_651 = arith.addf %add3A_645, %get3A_650 : vector<16xf32>
    %get3A_652 = arith.constant 35 : i32
    %get3A_653 = arith.index_cast %get3A_652 : i32 to index
    %get3A_654 = arith.constant 0 : index
    %get3A_655 = tpu.vector_load %arg8[%get3A_653, %get3A_654] {strides = array<i32>} : memref<40x32xf32, #tpu.memory_space<vmem>>, vector<1x16xf32>,
    %get3A_656 = vector.shape_cast %get3A_655 : vector<1x16xf32> to vector<16xf32>
    %add3A_657 = arith.addf %add3A_651, %get3A_656 : vector<16xf32>
    %get3A_658 = arith.constant 36 : i32
    %get3A_659 = arith.index_cast %get3A_658 : i32 to index
    %get3A_660 = arith.constant 0 : index
    %get3A_661 = tpu.vector_load %arg8[%get3A_659, %get3A_660] {strides = array<i32>} : memref<40x32xf32, #tpu.memory_space<vmem>>, vector<1x16xf32>,
    %get3A_662 = vector.shape_cast %get3A_661 : vector<1x16xf32> to vector<16xf32>
    %add3A_663 = arith.addf %add3A_657, %get3A_662 : vector<16xf32>
    %get3A_664 = arith.constant 37 : i32
    %get3A_665 = arith.index_cast %get3A_664 : i32 to index
    %get3A_666 = arith.constant 0 : index
    %get3A_667 = tpu.vector_load %arg8[%get3A_665, %get3A_666] {strides = array<i32>} : memref<40x32xf32, #tpu.memory_space<vmem>>, vector<1x16xf32>,
    %get3A_668 = vector.shape_cast %get3A_667 : vector<1x16xf32> to vector<16xf32>
    %add3A_669 = arith.addf %add3A_663, %get3A_668 : vector<16xf32>
    %get3A_670 = arith.constant 38 : i32
    %get3A_671 = arith.index_cast %get3A_670 : i32 to index
    %get3A_672 = arith.constant 0 : index
    %get3A_673 = tpu.vector_load %arg8[%get3A_671, %get3A_672] {strides = array<i32>} : memref<40x32xf32, #tpu.memory_space<vmem>>, vector<1x16xf32>,
    %get3A_674 = vector.shape_cast %get3A_673 : vector<1x16xf32> to vector<16xf32>
    %add3A_675 = arith.addf %add3A_669, %get3A_674 : vector<16xf32>
    %get3A_676 = arith.constant 39 : i32
    %get3A_677 = arith.index_cast %get3A_676 : i32 to index
    %get3A_678 = arith.constant 0 : index
    %get3A_679 = tpu.vector_load %arg8[%get3A_677, %get3A_678] {strides = array<i32>} : memref<40x32xf32, #tpu.memory_space<vmem>>, vector<1x16xf32>,
    %get3A_680 = vector.shape_cast %get3A_679 : vector<1x16xf32> to vector<16xf32>
    %add3A_681 = arith.addf %add3A_675, %get3A_680 : vector<16xf32>
    %mul3A_682 = arith.constant 1.000000e-01 : f32
    %mul3A_683 = vector.broadcast %mul3A_682 : f32 to vector<16xf32>
    %mul3A_684 = arith.mulf %add3A_681, %mul3A_683 : vector<16xf32>
    %swap3A_685 = arith.constant 3 : i32
    %swap3A_686 = arith.index_cast %swap3A_685 : i32 to index
    %swap3A_687 = arith.constant 0 : index
    %swap3A_688 = tpu.vector_load %arg10[%swap3A_686, %swap3A_687] {strides = array<i32>} : memref<4x32xf32, #tpu.memory_space<vmem>>, vector<1x16xf32>,
    %swap3A_689 = vector.shape_cast %swap3A_688 : vector<1x16xf32> to vector<16xf32>
    %swap3A_690 = vector.shape_cast %mul3A_684 : vector<16xf32> to vector<1x16xf32>
    tpu.vector_store %arg10[%swap3A_686, %swap3A_687], %swap3A_690 {strides = array<i32>} : memref<4x32xf32, #tpu.memory_space<vmem>>, vector<1x16xf32>,
    %get3A_691 = arith.constant 30 : i32
    %get3A_692 = arith.index_cast %get3A_691 : i32 to index
    %get3A_693 = arith.constant 16 : index
    %get3A_694 = tpu.vector_load %arg8[%get3A_692, %get3A_693] {strides = array<i32>} : memref<40x32xf32, #tpu.memory_space<vmem>>, vector<1x16xf32>,
    %get3A_695 = vector.shape_cast %get3A_694 : vector<1x16xf32> to vector<16xf32>
    %get3A_696 = arith.constant 31 : i32
    %get3A_697 = arith.index_cast %get3A_696 : i32 to index
    %get3A_698 = arith.constant 16 : index
    %get3A_699 = tpu.vector_load %arg8[%get3A_697, %get3A_698] {strides = array<i32>} : memref<40x32xf32, #tpu.memory_space<vmem>>, vector<1x16xf32>,
    %get3A_700 = vector.shape_cast %get3A_699 : vector<1x16xf32> to vector<16xf32>
    %add3A_701 = arith.addf %get3A_695, %get3A_700 : vector<16xf32>
    %get3A_702 = arith.constant 32 : i32
    %get3A_703 = arith.index_cast %get3A_702 : i32 to index
    %get3A_704 = arith.constant 16 : index
    %get3A_705 = tpu.vector_load %arg8[%get3A_703, %get3A_704] {strides = array<i32>} : memref<40x32xf32, #tpu.memory_space<vmem>>, vector<1x16xf32>,
    %get3A_706 = vector.shape_cast %get3A_705 : vector<1x16xf32> to vector<16xf32>
    %add3A_707 = arith.addf %add3A_701, %get3A_706 : vector<16xf32>
    %get3A_708 = arith.constant 33 : i32
    %get3A_709 = arith.index_cast %get3A_708 : i32 to index
    %get3A_710 = arith.constant 16 : index
    %get3A_711 = tpu.vector_load %arg8[%get3A_709, %get3A_710] {strides = array<i32>} : memref<40x32xf32, #tpu.memory_space<vmem>>, vector<1x16xf32>,
    %get3A_712 = vector.shape_cast %get3A_711 : vector<1x16xf32> to vector<16xf32>
    %add3A_713 = arith.addf %add3A_707, %get3A_712 : vector<16xf32>
    %get3A_714 = arith.constant 34 : i32
    %get3A_715 = arith.index_cast %get3A_714 : i32 to index
    %get3A_716 = arith.constant 16 : index
    %get3A_717 = tpu.vector_load %arg8[%get3A_715, %get3A_716] {strides = array<i32>} : memref<40x32xf32, #tpu.memory_space<vmem>>, vector<1x16xf32>,
    %get3A_718 = vector.shape_cast %get3A_717 : vector<1x16xf32> to vector<16xf32>
    %add3A_719 = arith.addf %add3A_713, %get3A_718 : vector<16xf32>
    %get3A_720 = arith.constant 35 : i32
    %get3A_721 = arith.index_cast %get3A_720 : i32 to index
    %get3A_722 = arith.constant 16 : index
    %get3A_723 = tpu.vector_load %arg8[%get3A_721, %get3A_722] {strides = array<i32>} : memref<40x32xf32, #tpu.memory_space<vmem>>, vector<1x16xf32>,
    %get3A_724 = vector.shape_cast %get3A_723 : vector<1x16xf32> to vector<16xf32>
    %add3A_725 = arith.addf %add3A_719, %get3A_724 : vector<16xf32>
    %get3A_726 = arith.constant 36 : i32
    %get3A_727 = arith.index_cast %get3A_726 : i32 to index
    %get3A_728 = arith.constant 16 : index
    %get3A_729 = tpu.vector_load %arg8[%get3A_727, %get3A_728] {strides = array<i32>} : memref<40x32xf32, #tpu.memory_space<vmem>>, vector<1x16xf32>,
    %get3A_730 = vector.shape_cast %get3A_729 : vector<1x16xf32> to vector<16xf32>
    %add3A_731 = arith.addf %add3A_725, %get3A_730 : vector<16xf32>
    %get3A_732 = arith.constant 37 : i32
    %get3A_733 = arith.index_cast %get3A_732 : i32 to index
    %get3A_734 = arith.constant 16 : index
    %get3A_735 = tpu.vector_load %arg8[%get3A_733, %get3A_734] {strides = array<i32>} : memref<40x32xf32, #tpu.memory_space<vmem>>, vector<1x16xf32>,
    %get3A_736 = vector.shape_cast %get3A_735 : vector<1x16xf32> to vector<16xf32>
    %add3A_737 = arith.addf %add3A_731, %get3A_736 : vector<16xf32>
    %get3A_738 = arith.constant 38 : i32
    %get3A_739 = arith.index_cast %get3A_738 : i32 to index
    %get3A_740 = arith.constant 16 : index
    %get3A_741 = tpu.vector_load %arg8[%get3A_739, %get3A_740] {strides = array<i32>} : memref<40x32xf32, #tpu.memory_space<vmem>>, vector<1x16xf32>,
    %get3A_742 = vector.shape_cast %get3A_741 : vector<1x16xf32> to vector<16xf32>
    %add3A_743 = arith.addf %add3A_737, %get3A_742 : vector<16xf32>
    %get3A_744 = arith.constant 39 : i32
    %get3A_745 = arith.index_cast %get3A_744 : i32 to index
    %get3A_746 = arith.constant 16 : index
    %get3A_747 = tpu.vector_load %arg8[%get3A_745, %get3A_746] {strides = array<i32>} : memref<40x32xf32, #tpu.memory_space<vmem>>, vector<1x16xf32>,
    %get3A_748 = vector.shape_cast %get3A_747 : vector<1x16xf32> to vector<16xf32>
    %add3A_749 = arith.addf %add3A_743, %get3A_748 : vector<16xf32>
    %mul3A_750 = arith.constant 1.000000e-01 : f32
    %mul3A_751 = vector.broadcast %mul3A_750 : f32 to vector<16xf32>
    %mul3A_752 = arith.mulf %add3A_749, %mul3A_751 : vector<16xf32>
    %swap3A_753 = arith.constant 3 : i32
    %swap3A_754 = arith.index_cast %swap3A_753 : i32 to index
    %swap3A_755 = arith.constant 16 : index
    %swap3A_756 = tpu.vector_load %arg10[%swap3A_754, %swap3A_755] {strides = array<i32>} : memref<4x32xf32, #tpu.memory_space<vmem>>, vector<1x16xf32>,
    %swap3A_757 = vector.shape_cast %swap3A_756 : vector<1x16xf32> to vector<16xf32>
    %swap3A_758 = vector.shape_cast %mul3A_752 : vector<16xf32> to vector<1x16xf32>
    tpu.vector_store %arg10[%swap3A_754, %swap3A_755], %swap3A_758 {strides = array<i32>} : memref<4x32xf32, #tpu.memory_space<vmem>>, vector<1x16xf32>,
    %get3A_759 = arith.constant 30 : i32
    %get3A_760 = arith.index_cast %get3A_759 : i32 to index
    %get3A_761 = arith.constant 0 : index
    %get3A_762 = tpu.vector_load %arg9[%get3A_760, %get3A_761] {strides = array<i32>} : memref<40x16xf32, #tpu.memory_space<vmem>>, vector<1x16xf32>,
    %get3A_763 = vector.shape_cast %get3A_762 : vector<1x16xf32> to vector<16xf32>
    %get3A_764 = arith.constant 31 : i32
    %get3A_765 = arith.index_cast %get3A_764 : i32 to index
    %get3A_766 = arith.constant 0 : index
    %get3A_767 = tpu.vector_load %arg9[%get3A_765, %get3A_766] {strides = array<i32>} : memref<40x16xf32, #tpu.memory_space<vmem>>, vector<1x16xf32>,
    %get3A_768 = vector.shape_cast %get3A_767 : vector<1x16xf32> to vector<16xf32>
    %add3A_769 = arith.addf %get3A_763, %get3A_768 : vector<16xf32>
    %get3A_770 = arith.constant 32 : i32
    %get3A_771 = arith.index_cast %get3A_770 : i32 to index
    %get3A_772 = arith.constant 0 : index
    %get3A_773 = tpu.vector_load %arg9[%get3A_771, %get3A_772] {strides = array<i32>} : memref<40x16xf32, #tpu.memory_space<vmem>>, vector<1x16xf32>,
    %get3A_774 = vector.shape_cast %get3A_773 : vector<1x16xf32> to vector<16xf32>
    %add3A_775 = arith.addf %add3A_769, %get3A_774 : vector<16xf32>
    %get3A_776 = arith.constant 33 : i32
    %get3A_777 = arith.index_cast %get3A_776 : i32 to index
    %get3A_778 = arith.constant 0 : index
    %get3A_779 = tpu.vector_load %arg9[%get3A_777, %get3A_778] {strides = array<i32>} : memref<40x16xf32, #tpu.memory_space<vmem>>, vector<1x16xf32>,
    %get3A_780 = vector.shape_cast %get3A_779 : vector<1x16xf32> to vector<16xf32>
    %add3A_781 = arith.addf %add3A_775, %get3A_780 : vector<16xf32>
    %get3A_782 = arith.constant 34 : i32
    %get3A_783 = arith.index_cast %get3A_782 : i32 to index
    %get3A_784 = arith.constant 0 : index
    %get3A_785 = tpu.vector_load %arg9[%get3A_783, %get3A_784] {strides = array<i32>} : memref<40x16xf32, #tpu.memory_space<vmem>>, vector<1x16xf32>,
    %get3A_786 = vector.shape_cast %get3A_785 : vector<1x16xf32> to vector<16xf32>
    %add3A_787 = arith.addf %add3A_781, %get3A_786 : vector<16xf32>
    %get3A_788 = arith.constant 35 : i32
    %get3A_789 = arith.index_cast %get3A_788 : i32 to index
    %get3A_790 = arith.constant 0 : index
    %get3A_791 = tpu.vector_load %arg9[%get3A_789, %get3A_790] {strides = array<i32>} : memref<40x16xf32, #tpu.memory_space<vmem>>, vector<1x16xf32>,
    %get3A_792 = vector.shape_cast %get3A_791 : vector<1x16xf32> to vector<16xf32>
    %add3A_793 = arith.addf %add3A_787, %get3A_792 : vector<16xf32>
    %get3A_794 = arith.constant 36 : i32
    %get3A_795 = arith.index_cast %get3A_794 : i32 to index
    %get3A_796 = arith.constant 0 : index
    %get3A_797 = tpu.vector_load %arg9[%get3A_795, %get3A_796] {strides = array<i32>} : memref<40x16xf32, #tpu.memory_space<vmem>>, vector<1x16xf32>,
    %get3A_798 = vector.shape_cast %get3A_797 : vector<1x16xf32> to vector<16xf32>
    %add3A_799 = arith.addf %add3A_793, %get3A_798 : vector<16xf32>
    %get3A_800 = arith.constant 37 : i32
    %get3A_801 = arith.index_cast %get3A_800 : i32 to index
    %get3A_802 = arith.constant 0 : index
    %get3A_803 = tpu.vector_load %arg9[%get3A_801, %get3A_802] {strides = array<i32>} : memref<40x16xf32, #tpu.memory_space<vmem>>, vector<1x16xf32>,
    %get3A_804 = vector.shape_cast %get3A_803 : vector<1x16xf32> to vector<16xf32>
    %add3A_805 = arith.addf %add3A_799, %get3A_804 : vector<16xf32>
    %get3A_806 = arith.constant 38 : i32
    %get3A_807 = arith.index_cast %get3A_806 : i32 to index
    %get3A_808 = arith.constant 0 : index
    %get3A_809 = tpu.vector_load %arg9[%get3A_807, %get3A_808] {strides = array<i32>} : memref<40x16xf32, #tpu.memory_space<vmem>>, vector<1x16xf32>,
    %get3A_810 = vector.shape_cast %get3A_809 : vector<1x16xf32> to vector<16xf32>
    %add3A_811 = arith.addf %add3A_805, %get3A_810 : vector<16xf32>
    %get3A_812 = arith.constant 39 : i32
    %get3A_813 = arith.index_cast %get3A_812 : i32 to index
    %get3A_814 = arith.constant 0 : index
    %get3A_815 = tpu.vector_load %arg9[%get3A_813, %get3A_814] {strides = array<i32>} : memref<40x16xf32, #tpu.memory_space<vmem>>, vector<1x16xf32>,
    %get3A_816 = vector.shape_cast %get3A_815 : vector<1x16xf32> to vector<16xf32>
    %add3A_817 = arith.addf %add3A_811, %get3A_816 : vector<16xf32>
    %mul3A_818 = arith.constant 1.000000e-01 : f32
    %mul3A_819 = vector.broadcast %mul3A_818 : f32 to vector<16xf32>
    %mul3A_820 = arith.mulf %add3A_817, %mul3A_819 : vector<16xf32>
    %swap3A_821 = arith.constant 3 : i32
    %swap3A_822 = arith.index_cast %swap3A_821 : i32 to index
    %swap3A_823 = arith.constant 0 : index
    %swap3A_824 = tpu.vector_load %arg11[%swap3A_822, %swap3A_823] {strides = array<i32>} : memref<4x16xf32, #tpu.memory_space<vmem>>, vector<1x16xf32>,
    %swap3A_825 = vector.shape_cast %swap3A_824 : vector<1x16xf32> to vector<16xf32>
    %swap3A_826 = vector.shape_cast %mul3A_820 : vector<16xf32> to vector<1x16xf32>
    tpu.vector_store %arg11[%swap3A_822, %swap3A_823], %swap3A_826 {strides = array<i32>} : memref<4x16xf32, #tpu.memory_space<vmem>>, vector<1x16xf32>,
    %mul3A_827 = arith.constant 4 : i32
    %mul3A_828 = arith.muli %add3A, %mul3A_827 : i32
    "tpu.region"() ({
      %run_scoped3A = tpu.sem_alloc : memref<!tpu.dma_semaphore, #tpu.memory_space<semaphore_mem>>
      %dma_start3A_831 = arith.constant 0 : i32
      %dma_start3A_832 = tpu.memref_slice %arg5[%mul3A_828, %dma_start3A_831] : memref<128x32xf32, #tpu.memory_space<hbm>> -> memref<4x32xf32, #tpu.memory_space<hbm>>
      %dma_start3A_833 = arith.constant 0 : i32
      %dma_start3A_834 = tpu.memref_slice %arg5[%mul3A_828, %dma_start3A_833] : memref<128x32xf32, #tpu.memory_space<hbm>> -> memref<4x32xf32, #tpu.memory_space<hbm>>
      tpu.enqueue_dma source(%arg10 : memref<4x32xf32, #tpu.memory_space<vmem>>) target(%dma_start3A_834 : memref<4x32xf32, #tpu.memory_space<hbm>>) target_semaphore(%run_scoped3A : memref<!tpu.dma_semaphore, #tpu.memory_space<semaphore_mem>>)
      %dma_wait3A_835 = arith.constant 0 : i32
      %dma_wait3A_836 = tpu.memref_slice %arg5[%mul3A_828, %dma_wait3A_835] : memref<128x32xf32, #tpu.memory_space<hbm>> -> memref<4x32xf32, #tpu.memory_space<hbm>>
      %dma_wait3A_837 = arith.constant 0 : i32
      %dma_wait3A_838 = tpu.memref_slice %arg5[%mul3A_828, %dma_wait3A_837] : memref<128x32xf32, #tpu.memory_space<hbm>> -> memref<4x32xf32, #tpu.memory_space<hbm>>
      tpu.wait_dma2 semaphore(%run_scoped3A : memref<!tpu.dma_semaphore, #tpu.memory_space<semaphore_mem>>) src(%arg10 : memref<4x32xf32, #tpu.memory_space<vmem>>) dst(%dma_wait3A_838 : memref<4x32xf32, #tpu.memory_space<hbm>>)
      tpu.yield
    }) : () -> ()
    %mul3A_829 = arith.constant 4 : i32
    %mul3A_830 = arith.muli %add3A, %mul3A_829 : i32
    "tpu.region"() ({
      %run_scoped3A = tpu.sem_alloc : memref<!tpu.dma_semaphore, #tpu.memory_space<semaphore_mem>>
      %dma_start3A_831 = arith.constant 0 : i32
      %dma_start3A_832 = tpu.memref_slice %arg6[%mul3A_830, %dma_start3A_831] : memref<128x16xf32, #tpu.memory_space<hbm>> -> memref<4x16xf32, #tpu.memory_space<hbm>>
      %dma_start3A_833 = arith.constant 0 : i32
      %dma_start3A_834 = tpu.memref_slice %arg6[%mul3A_830, %dma_start3A_833] : memref<128x16xf32, #tpu.memory_space<hbm>> -> memref<4x16xf32, #tpu.memory_space<hbm>>
      tpu.enqueue_dma source(%arg11 : memref<4x16xf32, #tpu.memory_space<vmem>>) target(%dma_start3A_834 : memref<4x16xf32, #tpu.memory_space<hbm>>) target_semaphore(%run_scoped3A : memref<!tpu.dma_semaphore, #tpu.memory_space<semaphore_mem>>)
      %dma_wait3A_835 = arith.constant 0 : i32
      %dma_wait3A_836 = tpu.memref_slice %arg6[%mul3A_830, %dma_wait3A_835] : memref<128x16xf32, #tpu.memory_space<hbm>> -> memref<4x16xf32, #tpu.memory_space<hbm>>
      %dma_wait3A_837 = arith.constant 0 : i32
      %dma_wait3A_838 = tpu.memref_slice %arg6[%mul3A_830, %dma_wait3A_837] : memref<128x16xf32, #tpu.memory_space<hbm>> -> memref<4x16xf32, #tpu.memory_space<hbm>>
      tpu.wait_dma2 semaphore(%run_scoped3A : memref<!tpu.dma_semaphore, #tpu.memory_space<semaphore_mem>>) src(%arg11 : memref<4x16xf32, #tpu.memory_space<vmem>>) dst(%dma_wait3A_838 : memref<4x16xf32, #tpu.memory_space<hbm>>)
      tpu.yield
    }) : () -> ()
    return
  }
}

module attributes {stable_mosaic.version = 14 : i64} {
  func.func @_scan_kernel(%arg0: i32, %arg1: memref<128x128xf32, #tpu.memory_space<vmem>>, %arg2: memref<1x128xf32, #tpu.memory_space<vmem>>, %arg3: memref<4096x128xf32, #tpu.memory_space<vmem>>, %arg4: memref<4096x1xf32, #tpu.memory_space<vmem>>, %arg5: memref<128x256xf32, #tpu.memory_space<vmem>>, %arg6: memref<1x256xf32, #tpu.memory_space<vmem>>, %arg7: memref<256x128xf32, #tpu.memory_space<vmem>>, %arg8: memref<1x128xf32, #tpu.memory_space<vmem>>, %arg9: memref<128x128xf32, #tpu.memory_space<vmem>>, %arg10: memref<1x128xf32, #tpu.memory_space<vmem>>, %arg11: memref<256x256xf32, #tpu.memory_space<vmem>>, %arg12: memref<1x256xf32, #tpu.memory_space<vmem>>, %arg13: memref<256x128xf32, #tpu.memory_space<vmem>>, %arg14: memref<1x128xf32, #tpu.memory_space<vmem>>, %arg15: memref<128x64xf32, #tpu.memory_space<vmem>>, %arg16: memref<1x64xf32, #tpu.memory_space<vmem>>, %arg17: memref<16x128xf32, #tpu.memory_space<vmem>>, %arg18: memref<16x128xi32, #tpu.memory_space<vmem>>, %arg19: memref<128x128xf32, #tpu.memory_space<vmem>>, %arg20: memref<128x64xf32, #tpu.memory_space<vmem>>, %arg21: memref<16x128xf32, #tpu.memory_space<vmem>>, %arg22: memref<16x128xi32, #tpu.memory_space<vmem>>) attributes {dimension_semantics = [#tpu.dimension_semantics<arbitrary>], iteration_bounds = array<i64: 25>, scalar_prefetch = 0 : i64, scratch_operands = 2 : i64, tpu.core_type = #tpu.core_type<tc>, window_params = [{pipeline_mode = #tpu.pipeline_mode<synchronous>, transform_indices = @transform_0, window_bounds = array<i64: 128, 128>}, {pipeline_mode = #tpu.pipeline_mode<synchronous>, transform_indices = @transform_1, window_bounds = array<i64: 1, 128>}, {transform_indices = @transform_2, window_bounds = array<i64: 4096, 128>}, {transform_indices = @transform_3, window_bounds = array<i64: 4096, 1>}, {pipeline_mode = #tpu.pipeline_mode<synchronous>, transform_indices = @transform_4, window_bounds = array<i64: 128, 256>}, {pipeline_mode = #tpu.pipeline_mode<synchronous>, transform_indices = @transform_5, window_bounds = array<i64: 1, 256>}, {pipeline_mode = #tpu.pipeline_mode<synchronous>, transform_indices = @transform_6, window_bounds = array<i64: 256, 128>}, {pipeline_mode = #tpu.pipeline_mode<synchronous>, transform_indices = @transform_7, window_bounds = array<i64: 1, 128>}, {pipeline_mode = #tpu.pipeline_mode<synchronous>, transform_indices = @transform_8, window_bounds = array<i64: 128, 128>}, {pipeline_mode = #tpu.pipeline_mode<synchronous>, transform_indices = @transform_9, window_bounds = array<i64: 1, 128>}, {pipeline_mode = #tpu.pipeline_mode<synchronous>, transform_indices = @transform_10, window_bounds = array<i64: 256, 256>}, {pipeline_mode = #tpu.pipeline_mode<synchronous>, transform_indices = @transform_11, window_bounds = array<i64: 1, 256>}, {pipeline_mode = #tpu.pipeline_mode<synchronous>, transform_indices = @transform_12, window_bounds = array<i64: 256, 128>}, {pipeline_mode = #tpu.pipeline_mode<synchronous>, transform_indices = @transform_13, window_bounds = array<i64: 1, 128>}, {pipeline_mode = #tpu.pipeline_mode<synchronous>, transform_indices = @transform_14, window_bounds = array<i64: 128, 64>}, {pipeline_mode = #tpu.pipeline_mode<synchronous>, transform_indices = @transform_15, window_bounds = array<i64: 1, 64>}, {pipeline_mode = #tpu.pipeline_mode<synchronous>, transform_indices = @transform_16, window_bounds = array<i64: 16, 128>}, {pipeline_mode = #tpu.pipeline_mode<synchronous>, transform_indices = @transform_17, window_bounds = array<i64: 16, 128>}, {pipeline_mode = #tpu.pipeline_mode<synchronous>, transform_indices = @transform_18, window_bounds = array<i64: 128, 128>}, {pipeline_mode = #tpu.pipeline_mode<synchronous>, transform_indices = @transform_19, window_bounds = array<i64: 128, 64>}]} {
    %eq3A = arith.constant 0 : i32
    %eq3A_0 = arith.cmpi eq, %arg0, %eq3A : i32
    %convert_element_type3A = arith.extui %eq3A_0 : i1 to i32
    %cond3A = arith.constant 0 : i32
    %cond3A_1 = arith.cmpi ne, %convert_element_type3A, %cond3A : i32
    scf.if %cond3A_1 {
      %get3A_278 = arith.constant 0 : index
      %get3A_279 = arith.constant 0 : index
      %get3A_280 = vector.load %arg1[%get3A_278, %get3A_279] : memref<128x128xf32, #tpu.memory_space<vmem>>, vector<128x128xf32>
      %broadcast_in_dim3A_281 = arith.constant 0xFF800000 : f32
      %broadcast_in_dim3A_282 = vector.broadcast %broadcast_in_dim3A_281 : f32 to vector<16x128xf32>
      %swap3A_283 = arith.constant 0 : index
      %swap3A_284 = arith.constant 0 : index
      %swap3A_285 = vector.load %arg21[%swap3A_283, %swap3A_284] : memref<16x128xf32, #tpu.memory_space<vmem>>, vector<16x128xf32>
      tpu.vector_store %arg21[%swap3A_283, %swap3A_284], %broadcast_in_dim3A_282 {strides = array<i32>} : memref<16x128xf32, #tpu.memory_space<vmem>>, vector<16x128xf32>,
      %broadcast_in_dim3A_286 = arith.constant 1073741824 : i32
      %broadcast_in_dim3A_287 = vector.broadcast %broadcast_in_dim3A_286 : i32 to vector<16x128xi32>
      %swap3A_288 = arith.constant 0 : index
      %swap3A_289 = arith.constant 0 : index
      %swap3A_290 = vector.load %arg22[%swap3A_288, %swap3A_289] : memref<16x128xi32, #tpu.memory_space<vmem>>, vector<16x128xi32>
      tpu.vector_store %arg22[%swap3A_288, %swap3A_289], %broadcast_in_dim3A_287 {strides = array<i32>} : memref<16x128xi32, #tpu.memory_space<vmem>>, vector<16x128xi32>,
      %get3A_291 = arith.constant 0 : index
      %get3A_292 = arith.constant 0 : index
      %get3A_293 = vector.load %arg5[%get3A_291, %get3A_292] : memref<128x256xf32, #tpu.memory_space<vmem>>, vector<128x256xf32>
      %dot_general3A_294 = arith.constant dense<0.000000e+00> : vector<128x256xf32>
      %dot_general3A_295 = tpu.matmul %get3A_280, %get3A_293, %dot_general3A_294 {dimension_numbers = #tpu.dot_dimension_numbers<[1], [0], [0], [1], [0, 0, 1, 1], [], []>, precision = #tpu.contract_precision<fp32>, transpose_lhs_hint = false} : vector<128x128xf32>, vector<128x256xf32>, vector<128x256xf32> -> vector<128x256xf32>
      %get3A_296 = arith.constant 0 : index
      %get3A_297 = arith.constant 0 : index
      %get3A_298 = vector.load %arg6[%get3A_296, %get3A_297] : memref<1x256xf32, #tpu.memory_space<vmem>>, vector<1x256xf32>
      %add3A_299 = vector.broadcast %get3A_298 : vector<1x256xf32> to vector<128x256xf32>
      %add3A_300 = arith.addf %dot_general3A_295, %add3A_299 : vector<128x256xf32>
      %mul3A_301 = arith.constant 5.000000e-01 : f32
      %mul3A_302 = vector.broadcast %mul3A_301 : f32 to vector<128x256xf32>
      %mul3A_303 = arith.mulf %mul3A_302, %add3A_300 : vector<128x256xf32>
      %mul3A_304 = arith.constant 0.707106769 : f32
      %mul3A_305 = vector.broadcast %mul3A_304 : f32 to vector<128x256xf32>
      %mul3A_306 = arith.mulf %add3A_300, %mul3A_305 : vector<128x256xf32>
      %erf3A = math.erf %mul3A_306 : vector<128x256xf32>
      %add3A_307 = arith.constant 1.000000e+00 : f32
      %add3A_308 = vector.broadcast %add3A_307 : f32 to vector<128x256xf32>
      %add3A_309 = arith.addf %add3A_308, %erf3A : vector<128x256xf32>
      %mul3A_310 = arith.mulf %mul3A_303, %add3A_309 : vector<128x256xf32>
      %get3A_311 = arith.constant 0 : index
      %get3A_312 = arith.constant 0 : index
      %get3A_313 = vector.load %arg7[%get3A_311, %get3A_312] : memref<256x128xf32, #tpu.memory_space<vmem>>, vector<256x128xf32>
      %dot_general3A_314 = arith.constant dense<0.000000e+00> : vector<128x128xf32>
      %dot_general3A_315 = tpu.matmul %mul3A_310, %get3A_313, %dot_general3A_314 {dimension_numbers = #tpu.dot_dimension_numbers<[1], [0], [0], [1], [0, 0, 1, 1], [], []>, precision = #tpu.contract_precision<fp32>, transpose_lhs_hint = false} : vector<128x256xf32>, vector<256x128xf32>, vector<128x128xf32> -> vector<128x128xf32>
      %get3A_316 = arith.constant 0 : index
      %get3A_317 = arith.constant 0 : index
      %get3A_318 = vector.load %arg8[%get3A_316, %get3A_317] : memref<1x128xf32, #tpu.memory_space<vmem>>, vector<1x128xf32>
      %add3A_319 = vector.broadcast %get3A_318 : vector<1x128xf32> to vector<128x128xf32>
      %add3A_320 = arith.addf %dot_general3A_315, %add3A_319 : vector<128x128xf32>
      %mul3A_321 = arith.constant 5.000000e-01 : f32
      %mul3A_322 = vector.broadcast %mul3A_321 : f32 to vector<128x128xf32>
      %mul3A_323 = arith.mulf %mul3A_322, %add3A_320 : vector<128x128xf32>
      %mul3A_324 = arith.constant 0.707106769 : f32
      %mul3A_325 = vector.broadcast %mul3A_324 : f32 to vector<128x128xf32>
      %mul3A_326 = arith.mulf %add3A_320, %mul3A_325 : vector<128x128xf32>
      %erf3A_327 = math.erf %mul3A_326 : vector<128x128xf32>
      %add3A_328 = arith.constant 1.000000e+00 : f32
      %add3A_329 = vector.broadcast %add3A_328 : f32 to vector<128x128xf32>
      %add3A_330 = arith.addf %add3A_329, %erf3A_327 : vector<128x128xf32>
      %mul3A_331 = arith.mulf %mul3A_323, %add3A_330 : vector<128x128xf32>
      %get3A_332 = arith.constant 0 : index
      %get3A_333 = arith.constant 0 : index
      %get3A_334 = vector.load %arg9[%get3A_332, %get3A_333] : memref<128x128xf32, #tpu.memory_space<vmem>>, vector<128x128xf32>
      %dot_general3A_335 = arith.constant dense<0.000000e+00> : vector<128x128xf32>
      %dot_general3A_336 = tpu.matmul %mul3A_331, %get3A_334, %dot_general3A_335 {dimension_numbers = #tpu.dot_dimension_numbers<[1], [0], [0], [1], [0, 0, 1, 1], [], []>, precision = #tpu.contract_precision<fp32>, transpose_lhs_hint = false} : vector<128x128xf32>, vector<128x128xf32>, vector<128x128xf32> -> vector<128x128xf32>
      %get3A_337 = arith.constant 0 : index
      %get3A_338 = arith.constant 0 : index
      %get3A_339 = vector.load %arg10[%get3A_337, %get3A_338] : memref<1x128xf32, #tpu.memory_space<vmem>>, vector<1x128xf32>
      %add3A_340 = vector.broadcast %get3A_339 : vector<1x128xf32> to vector<128x128xf32>
      %add3A_341 = arith.addf %dot_general3A_336, %add3A_340 : vector<128x128xf32>
      %swap3A_342 = arith.constant 0 : index
      %swap3A_343 = arith.constant 0 : index
      %swap3A_344 = vector.load %arg19[%swap3A_342, %swap3A_343] : memref<128x128xf32, #tpu.memory_space<vmem>>, vector<128x128xf32>
      tpu.vector_store %arg19[%swap3A_342, %swap3A_343], %add3A_341 {strides = array<i32>} : memref<128x128xf32, #tpu.memory_space<vmem>>, vector<128x128xf32>,
      %concatenate3A_345 = tpu.concatenate %get3A_280, %add3A_341 in 1 : vector<128x128xf32>, vector<128x128xf32> -> vector<128x256xf32>
      %get3A_346 = arith.constant 0 : index
      %get3A_347 = arith.constant 0 : index
      %get3A_348 = vector.load %arg11[%get3A_346, %get3A_347] : memref<256x256xf32, #tpu.memory_space<vmem>>, vector<256x256xf32>
      %dot_general3A_349 = arith.constant dense<0.000000e+00> : vector<128x256xf32>
      %dot_general3A_350 = tpu.matmul %concatenate3A_345, %get3A_348, %dot_general3A_349 {dimension_numbers = #tpu.dot_dimension_numbers<[1], [0], [0], [1], [0, 0, 1, 1], [], []>, precision = #tpu.contract_precision<fp32>, transpose_lhs_hint = false} : vector<128x256xf32>, vector<256x256xf32>, vector<128x256xf32> -> vector<128x256xf32>
      %get3A_351 = arith.constant 0 : index
      %get3A_352 = arith.constant 0 : index
      %get3A_353 = vector.load %arg12[%get3A_351, %get3A_352] : memref<1x256xf32, #tpu.memory_space<vmem>>, vector<1x256xf32>
      %add3A_354 = vector.broadcast %get3A_353 : vector<1x256xf32> to vector<128x256xf32>
      %add3A_355 = arith.addf %dot_general3A_350, %add3A_354 : vector<128x256xf32>
      %mul3A_356 = arith.constant 5.000000e-01 : f32
      %mul3A_357 = vector.broadcast %mul3A_356 : f32 to vector<128x256xf32>
      %mul3A_358 = arith.mulf %mul3A_357, %add3A_355 : vector<128x256xf32>
      %mul3A_359 = arith.constant 0.707106769 : f32
      %mul3A_360 = vector.broadcast %mul3A_359 : f32 to vector<128x256xf32>
      %mul3A_361 = arith.mulf %add3A_355, %mul3A_360 : vector<128x256xf32>
      %erf3A_362 = math.erf %mul3A_361 : vector<128x256xf32>
      %add3A_363 = arith.constant 1.000000e+00 : f32
      %add3A_364 = vector.broadcast %add3A_363 : f32 to vector<128x256xf32>
      %add3A_365 = arith.addf %add3A_364, %erf3A_362 : vector<128x256xf32>
      %mul3A_366 = arith.mulf %mul3A_358, %add3A_365 : vector<128x256xf32>
      %get3A_367 = arith.constant 0 : index
      %get3A_368 = arith.constant 0 : index
      %get3A_369 = vector.load %arg13[%get3A_367, %get3A_368] : memref<256x128xf32, #tpu.memory_space<vmem>>, vector<256x128xf32>
      %dot_general3A_370 = arith.constant dense<0.000000e+00> : vector<128x128xf32>
      %dot_general3A_371 = tpu.matmul %mul3A_366, %get3A_369, %dot_general3A_370 {dimension_numbers = #tpu.dot_dimension_numbers<[1], [0], [0], [1], [0, 0, 1, 1], [], []>, precision = #tpu.contract_precision<fp32>, transpose_lhs_hint = false} : vector<128x256xf32>, vector<256x128xf32>, vector<128x128xf32> -> vector<128x128xf32>
      %get3A_372 = arith.constant 0 : index
      %get3A_373 = arith.constant 0 : index
      %get3A_374 = vector.load %arg14[%get3A_372, %get3A_373] : memref<1x128xf32, #tpu.memory_space<vmem>>, vector<1x128xf32>
      %add3A_375 = vector.broadcast %get3A_374 : vector<1x128xf32> to vector<128x128xf32>
      %add3A_376 = arith.addf %dot_general3A_371, %add3A_375 : vector<128x128xf32>
      %mul3A_377 = arith.constant 5.000000e-01 : f32
      %mul3A_378 = vector.broadcast %mul3A_377 : f32 to vector<128x128xf32>
      %mul3A_379 = arith.mulf %mul3A_378, %add3A_376 : vector<128x128xf32>
      %mul3A_380 = arith.constant 0.707106769 : f32
      %mul3A_381 = vector.broadcast %mul3A_380 : f32 to vector<128x128xf32>
      %mul3A_382 = arith.mulf %add3A_376, %mul3A_381 : vector<128x128xf32>
      %erf3A_383 = math.erf %mul3A_382 : vector<128x128xf32>
      %add3A_384 = arith.constant 1.000000e+00 : f32
      %add3A_385 = vector.broadcast %add3A_384 : f32 to vector<128x128xf32>
      %add3A_386 = arith.addf %add3A_385, %erf3A_383 : vector<128x128xf32>
      %mul3A_387 = arith.mulf %mul3A_379, %add3A_386 : vector<128x128xf32>
      %get3A_388 = arith.constant 0 : index
      %get3A_389 = arith.constant 0 : index
      %get3A_390 = vector.load %arg15[%get3A_388, %get3A_389] : memref<128x64xf32, #tpu.memory_space<vmem>>, vector<128x64xf32>
      %dot_general3A_391 = arith.constant dense<0.000000e+00> : vector<128x64xf32>
      %dot_general3A_392 = tpu.matmul %mul3A_387, %get3A_390, %dot_general3A_391 {dimension_numbers = #tpu.dot_dimension_numbers<[1], [0], [0], [1], [0, 0, 1, 1], [], []>, precision = #tpu.contract_precision<fp32>, transpose_lhs_hint = false} : vector<128x128xf32>, vector<128x64xf32>, vector<128x64xf32> -> vector<128x64xf32>
      %get3A_393 = arith.constant 0 : index
      %get3A_394 = arith.constant 0 : index
      %get3A_395 = vector.load %arg16[%get3A_393, %get3A_394] : memref<1x64xf32, #tpu.memory_space<vmem>>, vector<1x64xf32>
      %add3A_396 = vector.broadcast %get3A_395 : vector<1x64xf32> to vector<128x64xf32>
      %add3A_397 = arith.addf %dot_general3A_392, %add3A_396 : vector<128x64xf32>
      %swap3A_398 = arith.constant 0 : index
      %swap3A_399 = arith.constant 0 : index
      %swap3A_400 = vector.load %arg20[%swap3A_398, %swap3A_399] : memref<128x64xf32, #tpu.memory_space<vmem>>, vector<128x64xf32>
      tpu.vector_store %arg20[%swap3A_398, %swap3A_399], %add3A_397 {strides = array<i32>} : memref<128x64xf32, #tpu.memory_space<vmem>>, vector<128x64xf32>,
    } else {
    }
    %get3A = arith.constant 0 : index
    %get3A_2 = arith.constant 0 : index
    %get3A_3 = vector.load %arg3[%get3A, %get3A_2] : memref<4096x128xf32, #tpu.memory_space<vmem>>, vector<4096x128xf32>
    %get3A_4 = arith.constant 0 : index
    %get3A_5 = arith.constant 0 : index
    %get3A_6 = vector.load %arg1[%get3A_4, %get3A_5] : memref<128x128xf32, #tpu.memory_space<vmem>>, vector<128x128xf32>
    %dot_general3A = arith.constant dense<0.000000e+00> : vector<4096x128xf32>
    %dot_general3A_7 = tpu.matmul %get3A_3, %get3A_6, %dot_general3A {dimension_numbers = #tpu.dot_dimension_numbers<[1], [1], [0], [0], [0, 0, 1, 0], [], []>, transpose_lhs_hint = false} : vector<4096x128xf32>, vector<128x128xf32>, vector<4096x128xf32> -> vector<4096x128xf32>
    %get3A_8 = arith.constant 0 : index
    %get3A_9 = arith.constant 0 : index
    %get3A_10 = vector.load %arg4[%get3A_8, %get3A_9] : memref<4096x1xf32, #tpu.memory_space<vmem>>, vector<4096x1xf32>
    %get3A_11 = arith.constant 0 : index
    %get3A_12 = arith.constant 0 : index
    %get3A_13 = vector.load %arg2[%get3A_11, %get3A_12] : memref<1x128xf32, #tpu.memory_space<vmem>>, vector<1x128xf32>
    %mul3A = vector.broadcast %get3A_10 : vector<4096x1xf32> to vector<4096x128xf32>
    %mul3A_14 = vector.broadcast %get3A_13 : vector<1x128xf32> to vector<4096x128xf32>
    %mul3A_15 = arith.mulf %mul3A, %mul3A_14 : vector<4096x128xf32>
    %max3A = arith.constant 9.99999993E-9 : f32
    %max3A_16 = vector.broadcast %max3A : f32 to vector<4096x128xf32>
    %max3A_17 = arith.maximumf %mul3A_15, %max3A_16 : vector<4096x128xf32>
    %div3A = arith.divf %dot_general3A_7, %max3A_17 : vector<4096x128xf32>
    %mul3A_18 = arith.constant 4096 : i32
    %mul3A_19 = arith.muli %arg0, %mul3A_18 : i32
    %iota3A = tpu.iota {dimensions = array<i32: 0>} : vector<4096x128xi32>
    %add3A = vector.broadcast %mul3A_19 : i32 to vector<4096x128xi32>
    %add3A_20 = arith.addi %add3A, %iota3A : vector<4096x128xi32>
    %lt3A = arith.constant 100000 : i32
    %lt3A_21 = vector.broadcast %lt3A : i32 to vector<4096x128xi32>
    %lt3A_22 = arith.cmpi slt, %add3A_20, %lt3A_21 : vector<4096x128xi32>
    %jit3A = arith.constant 0xFF800000 : f32
    %broadcast_in_dim3A = vector.broadcast %jit3A : f32 to vector<4096x128xf32>
    %select_n3A = arith.select %lt3A_22, %div3A, %broadcast_in_dim3A : vector<4096x128xi1>, vector<4096x128xf32>
    %jit3A_23 = arith.constant 1073741824 : i32
    %broadcast_in_dim3A_24 = vector.broadcast %jit3A_23 : i32 to vector<4096x128xi32>
    %select_n3A_25 = arith.select %lt3A_22, %add3A_20, %broadcast_in_dim3A_24 : vector<4096x128xi1>, vector<4096x128xi32>
    %slice3A = vector.extract_strided_slice %select_n3A {offsets = [0, 0], sizes = [2048, 128], strides = [1, 1]} : vector<4096x128xf32> to vector<2048x128xf32>
    %slice3A_26 = vector.extract_strided_slice %select_n3A {offsets = [2048, 0], sizes = [2048, 128], strides = [1, 1]} : vector<4096x128xf32> to vector<2048x128xf32>
    %slice3A_27 = vector.extract_strided_slice %select_n3A_25 {offsets = [0, 0], sizes = [2048, 128], strides = [1, 1]} : vector<4096x128xi32> to vector<2048x128xi32>
    %slice3A_28 = vector.extract_strided_slice %select_n3A_25 {offsets = [2048, 0], sizes = [2048, 128], strides = [1, 1]} : vector<4096x128xi32> to vector<2048x128xi32>
    %ge3A = arith.cmpf oge, %slice3A, %slice3A_26 : vector<2048x128xf32>
    %select_n3A_29 = arith.select %ge3A, %slice3A, %slice3A_26 : vector<2048x128xi1>, vector<2048x128xf32>
    %select_n3A_30 = arith.select %ge3A, %slice3A_27, %slice3A_28 : vector<2048x128xi1>, vector<2048x128xi32>
    %get3A_31 = arith.constant 0 : index
    %get3A_32 = arith.constant 0 : index
    %get3A_33 = vector.load %arg21[%get3A_31, %get3A_32] : memref<16x128xf32, #tpu.memory_space<vmem>>, vector<16x128xf32>
    %concatenate3A = tpu.concatenate %get3A_33, %select_n3A_29 in 0 : vector<16x128xf32>, vector<2048x128xf32> -> vector<2064x128xf32>
    %get3A_34 = arith.constant 0 : index
    %get3A_35 = arith.constant 0 : index
    %get3A_36 = vector.load %arg22[%get3A_34, %get3A_35] : memref<16x128xi32, #tpu.memory_space<vmem>>, vector<16x128xi32>
    %concatenate3A_37 = tpu.concatenate %get3A_36, %select_n3A_30 in 0 : vector<16x128xi32>, vector<2048x128xi32> -> vector<2064x128xi32>
    %broadcast_in_dim3A_38 = arith.constant 0xFF800000 : f32
    %broadcast_in_dim3A_39 = vector.broadcast %broadcast_in_dim3A_38 : f32 to vector<16x128xf32>
    %select_n3A_40 = arith.select %ge3A, %slice3A_26, %slice3A : vector<2048x128xi1>, vector<2048x128xf32>
    %concatenate3A_41 = tpu.concatenate %broadcast_in_dim3A_39, %select_n3A_40 in 0 : vector<16x128xf32>, vector<2048x128xf32> -> vector<2064x128xf32>
    %broadcast_in_dim3A_42 = arith.constant 1073741824 : i32
    %broadcast_in_dim3A_43 = vector.broadcast %broadcast_in_dim3A_42 : i32 to vector<16x128xi32>
    %select_n3A_44 = arith.select %ge3A, %slice3A_28, %slice3A_27 : vector<2048x128xi1>, vector<2048x128xi32>
    %concatenate3A_45 = tpu.concatenate %broadcast_in_dim3A_43, %select_n3A_44 in 0 : vector<16x128xi32>, vector<2048x128xi32> -> vector<2064x128xi32>
    %reduce_max3A = arith.constant dense<0xFF800000> : vector<128xf32>
    %reduce_max3A_46 = vector.multi_reduction <maximumf>, %concatenate3A, %reduce_max3A [0] : vector<2064x128xf32> to vector<128xf32>
    %broadcast_in_dim3A_47 = vector.shape_cast %reduce_max3A_46 : vector<128xf32> to vector<1x128xf32>
    %eq3A_48 = vector.broadcast %broadcast_in_dim3A_47 : vector<1x128xf32> to vector<2064x128xf32>
    %eq3A_49 = arith.cmpf oeq, %concatenate3A, %eq3A_48 : vector<2064x128xf32>
    %jit3A_50 = arith.constant 1073741824 : i32
    %broadcast_in_dim3A_51 = vector.broadcast %jit3A_50 : i32 to vector<2064x128xi32>
    %select_n3A_52 = arith.select %eq3A_49, %concatenate3A_37, %broadcast_in_dim3A_51 : vector<2064x128xi1>, vector<2064x128xi32>
    %reduce_min3A = arith.constant dense<2147483647> : vector<128xi32>
    %reduce_min3A_53 = vector.multi_reduction <minsi>, %select_n3A_52, %reduce_min3A [0] : vector<2064x128xi32> to vector<128xi32>
    %broadcast_in_dim3A_54 = vector.shape_cast %reduce_min3A_53 : vector<128xi32> to vector<1x128xi32>
    %eq3A_55 = vector.broadcast %broadcast_in_dim3A_54 : vector<1x128xi32> to vector<2064x128xi32>
    %eq3A_56 = arith.cmpi eq, %concatenate3A_37, %eq3A_55 : vector<2064x128xi32>
    %select_n3A_57 = arith.select %eq3A_56, %concatenate3A_41, %concatenate3A : vector<2064x128xi1>, vector<2064x128xf32>
    %select_n3A_58 = arith.select %eq3A_56, %concatenate3A_45, %concatenate3A_37 : vector<2064x128xi1>, vector<2064x128xi32>
    %jit3A_59 = arith.constant 0xFF800000 : f32
    %broadcast_in_dim3A_60 = vector.broadcast %jit3A_59 : f32 to vector<2064x128xf32>
    %select_n3A_61 = arith.select %eq3A_56, %broadcast_in_dim3A_60, %concatenate3A_41 : vector<2064x128xi1>, vector<2064x128xf32>
    %swap3A = arith.constant 0 : index
    %swap3A_62 = arith.constant 0 : index
    %swap3A_63 = vector.load %arg21[%swap3A, %swap3A_62] : memref<16x128xf32, #tpu.memory_space<vmem>>, vector<1x128xf32>
    tpu.vector_store %arg21[%swap3A, %swap3A_62], %broadcast_in_dim3A_47 {strides = array<i32>} : memref<16x128xf32, #tpu.memory_space<vmem>>, vector<1x128xf32>,
    %swap3A_64 = arith.constant 0 : index
    %swap3A_65 = arith.constant 0 : index
    %swap3A_66 = vector.load %arg22[%swap3A_64, %swap3A_65] : memref<16x128xi32, #tpu.memory_space<vmem>>, vector<1x128xi32>
    tpu.vector_store %arg22[%swap3A_64, %swap3A_65], %broadcast_in_dim3A_54 {strides = array<i32>} : memref<16x128xi32, #tpu.memory_space<vmem>>, vector<1x128xi32>,
    %reduce_max3A_67 = arith.constant dense<0xFF800000> : vector<128xf32>
    %reduce_max3A_68 = vector.multi_reduction <maximumf>, %select_n3A_57, %reduce_max3A_67 [0] : vector<2064x128xf32> to vector<128xf32>
    %broadcast_in_dim3A_69 = vector.shape_cast %reduce_max3A_68 : vector<128xf32> to vector<1x128xf32>
    %eq3A_70 = vector.broadcast %broadcast_in_dim3A_69 : vector<1x128xf32> to vector<2064x128xf32>
    %eq3A_71 = arith.cmpf oeq, %select_n3A_57, %eq3A_70 : vector<2064x128xf32>
    %jit3A_72 = arith.constant 1073741824 : i32
    %broadcast_in_dim3A_73 = vector.broadcast %jit3A_72 : i32 to vector<2064x128xi32>
    %select_n3A_74 = arith.select %eq3A_71, %select_n3A_58, %broadcast_in_dim3A_73 : vector<2064x128xi1>, vector<2064x128xi32>
    %reduce_min3A_75 = arith.constant dense<2147483647> : vector<128xi32>
    %reduce_min3A_76 = vector.multi_reduction <minsi>, %select_n3A_74, %reduce_min3A_75 [0] : vector<2064x128xi32> to vector<128xi32>
    %broadcast_in_dim3A_77 = vector.shape_cast %reduce_min3A_76 : vector<128xi32> to vector<1x128xi32>
    %eq3A_78 = vector.broadcast %broadcast_in_dim3A_77 : vector<1x128xi32> to vector<2064x128xi32>
    %eq3A_79 = arith.cmpi eq, %select_n3A_58, %eq3A_78 : vector<2064x128xi32>
    %select_n3A_80 = arith.select %eq3A_79, %select_n3A_61, %select_n3A_57 : vector<2064x128xi1>, vector<2064x128xf32>
    %select_n3A_81 = arith.select %eq3A_79, %concatenate3A_45, %select_n3A_58 : vector<2064x128xi1>, vector<2064x128xi32>
    %jit3A_82 = arith.constant 0xFF800000 : f32
    %broadcast_in_dim3A_83 = vector.broadcast %jit3A_82 : f32 to vector<2064x128xf32>
    %select_n3A_84 = arith.select %eq3A_79, %broadcast_in_dim3A_83, %select_n3A_61 : vector<2064x128xi1>, vector<2064x128xf32>
    %swap3A_85 = arith.constant 1 : index
    %swap3A_86 = arith.constant 0 : index
    %swap3A_87 = vector.load %arg21[%swap3A_85, %swap3A_86] : memref<16x128xf32, #tpu.memory_space<vmem>>, vector<1x128xf32>
    tpu.vector_store %arg21[%swap3A_85, %swap3A_86], %broadcast_in_dim3A_69 {strides = array<i32>} : memref<16x128xf32, #tpu.memory_space<vmem>>, vector<1x128xf32>,
    %swap3A_88 = arith.constant 1 : index
    %swap3A_89 = arith.constant 0 : index
    %swap3A_90 = vector.load %arg22[%swap3A_88, %swap3A_89] : memref<16x128xi32, #tpu.memory_space<vmem>>, vector<1x128xi32>
    tpu.vector_store %arg22[%swap3A_88, %swap3A_89], %broadcast_in_dim3A_77 {strides = array<i32>} : memref<16x128xi32, #tpu.memory_space<vmem>>, vector<1x128xi32>,
    %reduce_max3A_91 = arith.constant dense<0xFF800000> : vector<128xf32>
    %reduce_max3A_92 = vector.multi_reduction <maximumf>, %select_n3A_80, %reduce_max3A_91 [0] : vector<2064x128xf32> to vector<128xf32>
    %broadcast_in_dim3A_93 = vector.shape_cast %reduce_max3A_92 : vector<128xf32> to vector<1x128xf32>
    %eq3A_94 = vector.broadcast %broadcast_in_dim3A_93 : vector<1x128xf32> to vector<2064x128xf32>
    %eq3A_95 = arith.cmpf oeq, %select_n3A_80, %eq3A_94 : vector<2064x128xf32>
    %jit3A_96 = arith.constant 1073741824 : i32
    %broadcast_in_dim3A_97 = vector.broadcast %jit3A_96 : i32 to vector<2064x128xi32>
    %select_n3A_98 = arith.select %eq3A_95, %select_n3A_81, %broadcast_in_dim3A_97 : vector<2064x128xi1>, vector<2064x128xi32>
    %reduce_min3A_99 = arith.constant dense<2147483647> : vector<128xi32>
    %reduce_min3A_100 = vector.multi_reduction <minsi>, %select_n3A_98, %reduce_min3A_99 [0] : vector<2064x128xi32> to vector<128xi32>
    %broadcast_in_dim3A_101 = vector.shape_cast %reduce_min3A_100 : vector<128xi32> to vector<1x128xi32>
    %eq3A_102 = vector.broadcast %broadcast_in_dim3A_101 : vector<1x128xi32> to vector<2064x128xi32>
    %eq3A_103 = arith.cmpi eq, %select_n3A_81, %eq3A_102 : vector<2064x128xi32>
    %select_n3A_104 = arith.select %eq3A_103, %select_n3A_84, %select_n3A_80 : vector<2064x128xi1>, vector<2064x128xf32>
    %select_n3A_105 = arith.select %eq3A_103, %concatenate3A_45, %select_n3A_81 : vector<2064x128xi1>, vector<2064x128xi32>
    %jit3A_106 = arith.constant 0xFF800000 : f32
    %broadcast_in_dim3A_107 = vector.broadcast %jit3A_106 : f32 to vector<2064x128xf32>
    %select_n3A_108 = arith.select %eq3A_103, %broadcast_in_dim3A_107, %select_n3A_84 : vector<2064x128xi1>, vector<2064x128xf32>
    %swap3A_109 = arith.constant 2 : index
    %swap3A_110 = arith.constant 0 : index
    %swap3A_111 = vector.load %arg21[%swap3A_109, %swap3A_110] : memref<16x128xf32, #tpu.memory_space<vmem>>, vector<1x128xf32>
    tpu.vector_store %arg21[%swap3A_109, %swap3A_110], %broadcast_in_dim3A_93 {strides = array<i32>} : memref<16x128xf32, #tpu.memory_space<vmem>>, vector<1x128xf32>,
    %swap3A_112 = arith.constant 2 : index
    %swap3A_113 = arith.constant 0 : index
    %swap3A_114 = vector.load %arg22[%swap3A_112, %swap3A_113] : memref<16x128xi32, #tpu.memory_space<vmem>>, vector<1x128xi32>
    tpu.vector_store %arg22[%swap3A_112, %swap3A_113], %broadcast_in_dim3A_101 {strides = array<i32>} : memref<16x128xi32, #tpu.memory_space<vmem>>, vector<1x128xi32>,
    %reduce_max3A_115 = arith.constant dense<0xFF800000> : vector<128xf32>
    %reduce_max3A_116 = vector.multi_reduction <maximumf>, %select_n3A_104, %reduce_max3A_115 [0] : vector<2064x128xf32> to vector<128xf32>
    %broadcast_in_dim3A_117 = vector.shape_cast %reduce_max3A_116 : vector<128xf32> to vector<1x128xf32>
    %eq3A_118 = vector.broadcast %broadcast_in_dim3A_117 : vector<1x128xf32> to vector<2064x128xf32>
    %eq3A_119 = arith.cmpf oeq, %select_n3A_104, %eq3A_118 : vector<2064x128xf32>
    %jit3A_120 = arith.constant 1073741824 : i32
    %broadcast_in_dim3A_121 = vector.broadcast %jit3A_120 : i32 to vector<2064x128xi32>
    %select_n3A_122 = arith.select %eq3A_119, %select_n3A_105, %broadcast_in_dim3A_121 : vector<2064x128xi1>, vector<2064x128xi32>
    %reduce_min3A_123 = arith.constant dense<2147483647> : vector<128xi32>
    %reduce_min3A_124 = vector.multi_reduction <minsi>, %select_n3A_122, %reduce_min3A_123 [0] : vector<2064x128xi32> to vector<128xi32>
    %broadcast_in_dim3A_125 = vector.shape_cast %reduce_min3A_124 : vector<128xi32> to vector<1x128xi32>
    %eq3A_126 = vector.broadcast %broadcast_in_dim3A_125 : vector<1x128xi32> to vector<2064x128xi32>
    %eq3A_127 = arith.cmpi eq, %select_n3A_105, %eq3A_126 : vector<2064x128xi32>
    %select_n3A_128 = arith.select %eq3A_127, %select_n3A_108, %select_n3A_104 : vector<2064x128xi1>, vector<2064x128xf32>
    %select_n3A_129 = arith.select %eq3A_127, %concatenate3A_45, %select_n3A_105 : vector<2064x128xi1>, vector<2064x128xi32>
    %jit3A_130 = arith.constant 0xFF800000 : f32
    %broadcast_in_dim3A_131 = vector.broadcast %jit3A_130 : f32 to vector<2064x128xf32>
    %select_n3A_132 = arith.select %eq3A_127, %broadcast_in_dim3A_131, %select_n3A_108 : vector<2064x128xi1>, vector<2064x128xf32>
    %swap3A_133 = arith.constant 3 : index
    %swap3A_134 = arith.constant 0 : index
    %swap3A_135 = vector.load %arg21[%swap3A_133, %swap3A_134] : memref<16x128xf32, #tpu.memory_space<vmem>>, vector<1x128xf32>
    tpu.vector_store %arg21[%swap3A_133, %swap3A_134], %broadcast_in_dim3A_117 {strides = array<i32>} : memref<16x128xf32, #tpu.memory_space<vmem>>, vector<1x128xf32>,
    %swap3A_136 = arith.constant 3 : index
    %swap3A_137 = arith.constant 0 : index
    %swap3A_138 = vector.load %arg22[%swap3A_136, %swap3A_137] : memref<16x128xi32, #tpu.memory_space<vmem>>, vector<1x128xi32>
    tpu.vector_store %arg22[%swap3A_136, %swap3A_137], %broadcast_in_dim3A_125 {strides = array<i32>} : memref<16x128xi32, #tpu.memory_space<vmem>>, vector<1x128xi32>,
    %reduce_max3A_139 = arith.constant dense<0xFF800000> : vector<128xf32>
    %reduce_max3A_140 = vector.multi_reduction <maximumf>, %select_n3A_128, %reduce_max3A_139 [0] : vector<2064x128xf32> to vector<128xf32>
    %broadcast_in_dim3A_141 = vector.shape_cast %reduce_max3A_140 : vector<128xf32> to vector<1x128xf32>
    %eq3A_142 = vector.broadcast %broadcast_in_dim3A_141 : vector<1x128xf32> to vector<2064x128xf32>
    %eq3A_143 = arith.cmpf oeq, %select_n3A_128, %eq3A_142 : vector<2064x128xf32>
    %jit3A_144 = arith.constant 1073741824 : i32
    %broadcast_in_dim3A_145 = vector.broadcast %jit3A_144 : i32 to vector<2064x128xi32>
    %select_n3A_146 = arith.select %eq3A_143, %select_n3A_129, %broadcast_in_dim3A_145 : vector<2064x128xi1>, vector<2064x128xi32>
    %reduce_min3A_147 = arith.constant dense<2147483647> : vector<128xi32>
    %reduce_min3A_148 = vector.multi_reduction <minsi>, %select_n3A_146, %reduce_min3A_147 [0] : vector<2064x128xi32> to vector<128xi32>
    %broadcast_in_dim3A_149 = vector.shape_cast %reduce_min3A_148 : vector<128xi32> to vector<1x128xi32>
    %eq3A_150 = vector.broadcast %broadcast_in_dim3A_149 : vector<1x128xi32> to vector<2064x128xi32>
    %eq3A_151 = arith.cmpi eq, %select_n3A_129, %eq3A_150 : vector<2064x128xi32>
    %select_n3A_152 = arith.select %eq3A_151, %select_n3A_132, %select_n3A_128 : vector<2064x128xi1>, vector<2064x128xf32>
    %select_n3A_153 = arith.select %eq3A_151, %concatenate3A_45, %select_n3A_129 : vector<2064x128xi1>, vector<2064x128xi32>
    %jit3A_154 = arith.constant 0xFF800000 : f32
    %broadcast_in_dim3A_155 = vector.broadcast %jit3A_154 : f32 to vector<2064x128xf32>
    %select_n3A_156 = arith.select %eq3A_151, %broadcast_in_dim3A_155, %select_n3A_132 : vector<2064x128xi1>, vector<2064x128xf32>
    %swap3A_157 = arith.constant 4 : index
    %swap3A_158 = arith.constant 0 : index
    %swap3A_159 = vector.load %arg21[%swap3A_157, %swap3A_158] : memref<16x128xf32, #tpu.memory_space<vmem>>, vector<1x128xf32>
    tpu.vector_store %arg21[%swap3A_157, %swap3A_158], %broadcast_in_dim3A_141 {strides = array<i32>} : memref<16x128xf32, #tpu.memory_space<vmem>>, vector<1x128xf32>,
    %swap3A_160 = arith.constant 4 : index
    %swap3A_161 = arith.constant 0 : index
    %swap3A_162 = vector.load %arg22[%swap3A_160, %swap3A_161] : memref<16x128xi32, #tpu.memory_space<vmem>>, vector<1x128xi32>
    tpu.vector_store %arg22[%swap3A_160, %swap3A_161], %broadcast_in_dim3A_149 {strides = array<i32>} : memref<16x128xi32, #tpu.memory_space<vmem>>, vector<1x128xi32>,
    %reduce_max3A_163 = arith.constant dense<0xFF800000> : vector<128xf32>
    %reduce_max3A_164 = vector.multi_reduction <maximumf>, %select_n3A_152, %reduce_max3A_163 [0] : vector<2064x128xf32> to vector<128xf32>
    %broadcast_in_dim3A_165 = vector.shape_cast %reduce_max3A_164 : vector<128xf32> to vector<1x128xf32>
    %eq3A_166 = vector.broadcast %broadcast_in_dim3A_165 : vector<1x128xf32> to vector<2064x128xf32>
    %eq3A_167 = arith.cmpf oeq, %select_n3A_152, %eq3A_166 : vector<2064x128xf32>
    %jit3A_168 = arith.constant 1073741824 : i32
    %broadcast_in_dim3A_169 = vector.broadcast %jit3A_168 : i32 to vector<2064x128xi32>
    %select_n3A_170 = arith.select %eq3A_167, %select_n3A_153, %broadcast_in_dim3A_169 : vector<2064x128xi1>, vector<2064x128xi32>
    %reduce_min3A_171 = arith.constant dense<2147483647> : vector<128xi32>
    %reduce_min3A_172 = vector.multi_reduction <minsi>, %select_n3A_170, %reduce_min3A_171 [0] : vector<2064x128xi32> to vector<128xi32>
    %broadcast_in_dim3A_173 = vector.shape_cast %reduce_min3A_172 : vector<128xi32> to vector<1x128xi32>
    %eq3A_174 = vector.broadcast %broadcast_in_dim3A_173 : vector<1x128xi32> to vector<2064x128xi32>
    %eq3A_175 = arith.cmpi eq, %select_n3A_153, %eq3A_174 : vector<2064x128xi32>
    %select_n3A_176 = arith.select %eq3A_175, %select_n3A_156, %select_n3A_152 : vector<2064x128xi1>, vector<2064x128xf32>
    %select_n3A_177 = arith.select %eq3A_175, %concatenate3A_45, %select_n3A_153 : vector<2064x128xi1>, vector<2064x128xi32>
    %jit3A_178 = arith.constant 0xFF800000 : f32
    %broadcast_in_dim3A_179 = vector.broadcast %jit3A_178 : f32 to vector<2064x128xf32>
    %select_n3A_180 = arith.select %eq3A_175, %broadcast_in_dim3A_179, %select_n3A_156 : vector<2064x128xi1>, vector<2064x128xf32>
    %swap3A_181 = arith.constant 5 : index
    %swap3A_182 = arith.constant 0 : index
    %swap3A_183 = vector.load %arg21[%swap3A_181, %swap3A_182] : memref<16x128xf32, #tpu.memory_space<vmem>>, vector<1x128xf32>
    tpu.vector_store %arg21[%swap3A_181, %swap3A_182], %broadcast_in_dim3A_165 {strides = array<i32>} : memref<16x128xf32, #tpu.memory_space<vmem>>, vector<1x128xf32>,
    %swap3A_184 = arith.constant 5 : index
    %swap3A_185 = arith.constant 0 : index
    %swap3A_186 = vector.load %arg22[%swap3A_184, %swap3A_185] : memref<16x128xi32, #tpu.memory_space<vmem>>, vector<1x128xi32>
    tpu.vector_store %arg22[%swap3A_184, %swap3A_185], %broadcast_in_dim3A_173 {strides = array<i32>} : memref<16x128xi32, #tpu.memory_space<vmem>>, vector<1x128xi32>,
    %reduce_max3A_187 = arith.constant dense<0xFF800000> : vector<128xf32>
    %reduce_max3A_188 = vector.multi_reduction <maximumf>, %select_n3A_176, %reduce_max3A_187 [0] : vector<2064x128xf32> to vector<128xf32>
    %broadcast_in_dim3A_189 = vector.shape_cast %reduce_max3A_188 : vector<128xf32> to vector<1x128xf32>
    %eq3A_190 = vector.broadcast %broadcast_in_dim3A_189 : vector<1x128xf32> to vector<2064x128xf32>
    %eq3A_191 = arith.cmpf oeq, %select_n3A_176, %eq3A_190 : vector<2064x128xf32>
    %jit3A_192 = arith.constant 1073741824 : i32
    %broadcast_in_dim3A_193 = vector.broadcast %jit3A_192 : i32 to vector<2064x128xi32>
    %select_n3A_194 = arith.select %eq3A_191, %select_n3A_177, %broadcast_in_dim3A_193 : vector<2064x128xi1>, vector<2064x128xi32>
    %reduce_min3A_195 = arith.constant dense<2147483647> : vector<128xi32>
    %reduce_min3A_196 = vector.multi_reduction <minsi>, %select_n3A_194, %reduce_min3A_195 [0] : vector<2064x128xi32> to vector<128xi32>
    %broadcast_in_dim3A_197 = vector.shape_cast %reduce_min3A_196 : vector<128xi32> to vector<1x128xi32>
    %eq3A_198 = vector.broadcast %broadcast_in_dim3A_197 : vector<1x128xi32> to vector<2064x128xi32>
    %eq3A_199 = arith.cmpi eq, %select_n3A_177, %eq3A_198 : vector<2064x128xi32>
    %select_n3A_200 = arith.select %eq3A_199, %select_n3A_180, %select_n3A_176 : vector<2064x128xi1>, vector<2064x128xf32>
    %select_n3A_201 = arith.select %eq3A_199, %concatenate3A_45, %select_n3A_177 : vector<2064x128xi1>, vector<2064x128xi32>
    %jit3A_202 = arith.constant 0xFF800000 : f32
    %broadcast_in_dim3A_203 = vector.broadcast %jit3A_202 : f32 to vector<2064x128xf32>
    %select_n3A_204 = arith.select %eq3A_199, %broadcast_in_dim3A_203, %select_n3A_180 : vector<2064x128xi1>, vector<2064x128xf32>
    %swap3A_205 = arith.constant 6 : index
    %swap3A_206 = arith.constant 0 : index
    %swap3A_207 = vector.load %arg21[%swap3A_205, %swap3A_206] : memref<16x128xf32, #tpu.memory_space<vmem>>, vector<1x128xf32>
    tpu.vector_store %arg21[%swap3A_205, %swap3A_206], %broadcast_in_dim3A_189 {strides = array<i32>} : memref<16x128xf32, #tpu.memory_space<vmem>>, vector<1x128xf32>,
    %swap3A_208 = arith.constant 6 : index
    %swap3A_209 = arith.constant 0 : index
    %swap3A_210 = vector.load %arg22[%swap3A_208, %swap3A_209] : memref<16x128xi32, #tpu.memory_space<vmem>>, vector<1x128xi32>
    tpu.vector_store %arg22[%swap3A_208, %swap3A_209], %broadcast_in_dim3A_197 {strides = array<i32>} : memref<16x128xi32, #tpu.memory_space<vmem>>, vector<1x128xi32>,
    %reduce_max3A_211 = arith.constant dense<0xFF800000> : vector<128xf32>
    %reduce_max3A_212 = vector.multi_reduction <maximumf>, %select_n3A_200, %reduce_max3A_211 [0] : vector<2064x128xf32> to vector<128xf32>
    %broadcast_in_dim3A_213 = vector.shape_cast %reduce_max3A_212 : vector<128xf32> to vector<1x128xf32>
    %eq3A_214 = vector.broadcast %broadcast_in_dim3A_213 : vector<1x128xf32> to vector<2064x128xf32>
    %eq3A_215 = arith.cmpf oeq, %select_n3A_200, %eq3A_214 : vector<2064x128xf32>
    %jit3A_216 = arith.constant 1073741824 : i32
    %broadcast_in_dim3A_217 = vector.broadcast %jit3A_216 : i32 to vector<2064x128xi32>
    %select_n3A_218 = arith.select %eq3A_215, %select_n3A_201, %broadcast_in_dim3A_217 : vector<2064x128xi1>, vector<2064x128xi32>
    %reduce_min3A_219 = arith.constant dense<2147483647> : vector<128xi32>
    %reduce_min3A_220 = vector.multi_reduction <minsi>, %select_n3A_218, %reduce_min3A_219 [0] : vector<2064x128xi32> to vector<128xi32>
    %broadcast_in_dim3A_221 = vector.shape_cast %reduce_min3A_220 : vector<128xi32> to vector<1x128xi32>
    %eq3A_222 = vector.broadcast %broadcast_in_dim3A_221 : vector<1x128xi32> to vector<2064x128xi32>
    %eq3A_223 = arith.cmpi eq, %select_n3A_201, %eq3A_222 : vector<2064x128xi32>
    %select_n3A_224 = arith.select %eq3A_223, %select_n3A_204, %select_n3A_200 : vector<2064x128xi1>, vector<2064x128xf32>
    %select_n3A_225 = arith.select %eq3A_223, %concatenate3A_45, %select_n3A_201 : vector<2064x128xi1>, vector<2064x128xi32>
    %jit3A_226 = arith.constant 0xFF800000 : f32
    %broadcast_in_dim3A_227 = vector.broadcast %jit3A_226 : f32 to vector<2064x128xf32>
    %select_n3A_228 = arith.select %eq3A_223, %broadcast_in_dim3A_227, %select_n3A_204 : vector<2064x128xi1>, vector<2064x128xf32>
    %swap3A_229 = arith.constant 7 : index
    %swap3A_230 = arith.constant 0 : index
    %swap3A_231 = vector.load %arg21[%swap3A_229, %swap3A_230] : memref<16x128xf32, #tpu.memory_space<vmem>>, vector<1x128xf32>
    tpu.vector_store %arg21[%swap3A_229, %swap3A_230], %broadcast_in_dim3A_213 {strides = array<i32>} : memref<16x128xf32, #tpu.memory_space<vmem>>, vector<1x128xf32>,
    %swap3A_232 = arith.constant 7 : index
    %swap3A_233 = arith.constant 0 : index
    %swap3A_234 = vector.load %arg22[%swap3A_232, %swap3A_233] : memref<16x128xi32, #tpu.memory_space<vmem>>, vector<1x128xi32>
    tpu.vector_store %arg22[%swap3A_232, %swap3A_233], %broadcast_in_dim3A_221 {strides = array<i32>} : memref<16x128xi32, #tpu.memory_space<vmem>>, vector<1x128xi32>,
    %reduce_max3A_235 = arith.constant dense<0xFF800000> : vector<128xf32>
    %reduce_max3A_236 = vector.multi_reduction <maximumf>, %select_n3A_224, %reduce_max3A_235 [0] : vector<2064x128xf32> to vector<128xf32>
    %broadcast_in_dim3A_237 = vector.shape_cast %reduce_max3A_236 : vector<128xf32> to vector<1x128xf32>
    %eq3A_238 = vector.broadcast %broadcast_in_dim3A_237 : vector<1x128xf32> to vector<2064x128xf32>
    %eq3A_239 = arith.cmpf oeq, %select_n3A_224, %eq3A_238 : vector<2064x128xf32>
    %jit3A_240 = arith.constant 1073741824 : i32
    %broadcast_in_dim3A_241 = vector.broadcast %jit3A_240 : i32 to vector<2064x128xi32>
    %select_n3A_242 = arith.select %eq3A_239, %select_n3A_225, %broadcast_in_dim3A_241 : vector<2064x128xi1>, vector<2064x128xi32>
    %reduce_min3A_243 = arith.constant dense<2147483647> : vector<128xi32>
    %reduce_min3A_244 = vector.multi_reduction <minsi>, %select_n3A_242, %reduce_min3A_243 [0] : vector<2064x128xi32> to vector<128xi32>
    %broadcast_in_dim3A_245 = vector.shape_cast %reduce_min3A_244 : vector<128xi32> to vector<1x128xi32>
    %eq3A_246 = vector.broadcast %broadcast_in_dim3A_245 : vector<1x128xi32> to vector<2064x128xi32>
    %eq3A_247 = arith.cmpi eq, %select_n3A_225, %eq3A_246 : vector<2064x128xi32>
    %select_n3A_248 = arith.select %eq3A_247, %select_n3A_228, %select_n3A_224 : vector<2064x128xi1>, vector<2064x128xf32>
    %select_n3A_249 = arith.select %eq3A_247, %concatenate3A_45, %select_n3A_225 : vector<2064x128xi1>, vector<2064x128xi32>
    %swap3A_250 = arith.constant 8 : index
    %swap3A_251 = arith.constant 0 : index
    %swap3A_252 = vector.load %arg21[%swap3A_250, %swap3A_251] : memref<16x128xf32, #tpu.memory_space<vmem>>, vector<1x128xf32>
    tpu.vector_store %arg21[%swap3A_250, %swap3A_251], %broadcast_in_dim3A_237 {strides = array<i32>} : memref<16x128xf32, #tpu.memory_space<vmem>>, vector<1x128xf32>,
    %swap3A_253 = arith.constant 8 : index
    %swap3A_254 = arith.constant 0 : index
    %swap3A_255 = vector.load %arg22[%swap3A_253, %swap3A_254] : memref<16x128xi32, #tpu.memory_space<vmem>>, vector<1x128xi32>
    tpu.vector_store %arg22[%swap3A_253, %swap3A_254], %broadcast_in_dim3A_245 {strides = array<i32>} : memref<16x128xi32, #tpu.memory_space<vmem>>, vector<1x128xi32>,
    %reduce_max3A_256 = arith.constant dense<0xFF800000> : vector<128xf32>
    %reduce_max3A_257 = vector.multi_reduction <maximumf>, %select_n3A_248, %reduce_max3A_256 [0] : vector<2064x128xf32> to vector<128xf32>
    %broadcast_in_dim3A_258 = vector.shape_cast %reduce_max3A_257 : vector<128xf32> to vector<1x128xf32>
    %eq3A_259 = vector.broadcast %broadcast_in_dim3A_258 : vector<1x128xf32> to vector<2064x128xf32>
    %eq3A_260 = arith.cmpf oeq, %select_n3A_248, %eq3A_259 : vector<2064x128xf32>
    %jit3A_261 = arith.constant 1073741824 : i32
    %broadcast_in_dim3A_262 = vector.broadcast %jit3A_261 : i32 to vector<2064x128xi32>
    %select_n3A_263 = arith.select %eq3A_260, %select_n3A_249, %broadcast_in_dim3A_262 : vector<2064x128xi1>, vector<2064x128xi32>
    %reduce_min3A_264 = arith.constant dense<2147483647> : vector<128xi32>
    %reduce_min3A_265 = vector.multi_reduction <minsi>, %select_n3A_263, %reduce_min3A_264 [0] : vector<2064x128xi32> to vector<128xi32>
    %broadcast_in_dim3A_266 = vector.shape_cast %reduce_min3A_265 : vector<128xi32> to vector<1x128xi32>
    %swap3A_267 = arith.constant 9 : index
    %swap3A_268 = arith.constant 0 : index
    %swap3A_269 = vector.load %arg21[%swap3A_267, %swap3A_268] : memref<16x128xf32, #tpu.memory_space<vmem>>, vector<1x128xf32>
    tpu.vector_store %arg21[%swap3A_267, %swap3A_268], %broadcast_in_dim3A_258 {strides = array<i32>} : memref<16x128xf32, #tpu.memory_space<vmem>>, vector<1x128xf32>,
    %swap3A_270 = arith.constant 9 : index
    %swap3A_271 = arith.constant 0 : index
    %swap3A_272 = vector.load %arg22[%swap3A_270, %swap3A_271] : memref<16x128xi32, #tpu.memory_space<vmem>>, vector<1x128xi32>
    tpu.vector_store %arg22[%swap3A_270, %swap3A_271], %broadcast_in_dim3A_266 {strides = array<i32>} : memref<16x128xi32, #tpu.memory_space<vmem>>, vector<1x128xi32>,
    %eq3A_273 = arith.constant 24 : i32
    %eq3A_274 = arith.cmpi eq, %arg0, %eq3A_273 : i32
    %convert_element_type3A_275 = arith.extui %eq3A_274 : i1 to i32
    %cond3A_276 = arith.constant 0 : i32
    %cond3A_277 = arith.cmpi ne, %convert_element_type3A_275, %cond3A_276 : i32
    scf.if %cond3A_277 {
      %get3A_278 = arith.constant 0 : index
      %get3A_279 = arith.constant 0 : index
      %get3A_280 = vector.load %arg21[%get3A_278, %get3A_279] : memref<16x128xf32, #tpu.memory_space<vmem>>, vector<16x128xf32>
      %swap3A_281 = arith.constant 0 : index
      %swap3A_282 = arith.constant 0 : index
      %swap3A_283 = vector.load %arg17[%swap3A_281, %swap3A_282] : memref<16x128xf32, #tpu.memory_space<vmem>>, vector<16x128xf32>
      tpu.vector_store %arg17[%swap3A_281, %swap3A_282], %get3A_280 {strides = array<i32>} : memref<16x128xf32, #tpu.memory_space<vmem>>, vector<16x128xf32>,
      %get3A_284 = arith.constant 0 : index
      %get3A_285 = arith.constant 0 : index
      %get3A_286 = vector.load %arg22[%get3A_284, %get3A_285] : memref<16x128xi32, #tpu.memory_space<vmem>>, vector<16x128xi32>
      %swap3A_287 = arith.constant 0 : index
      %swap3A_288 = arith.constant 0 : index
      %swap3A_289 = vector.load %arg18[%swap3A_287, %swap3A_288] : memref<16x128xi32, #tpu.memory_space<vmem>>, vector<16x128xi32>
      tpu.vector_store %arg18[%swap3A_287, %swap3A_288], %get3A_286 {strides = array<i32>} : memref<16x128xi32, #tpu.memory_space<vmem>>, vector<16x128xi32>,
    } else {
    }
    return
  }
  func.func @transform_0(%arg0: i32) -> (i32, i32) {
    %c0_i32 = arith.constant 0 : i32
    %c0_i32_0 = arith.constant 0 : i32
    %c0_i32_1 = arith.constant 0 : i32
    return %c0_i32, %c0_i32_0 : i32, i32
  }
  func.func @transform_1(%arg0: i32) -> (i32, i32) {
    %c0_i32 = arith.constant 0 : i32
    %c0_i32_0 = arith.constant 0 : i32
    %c0_i32_1 = arith.constant 0 : i32
    return %c0_i32, %c0_i32_0 : i32, i32
  }
  func.func @transform_2(%arg0: i32) -> (i32, i32) {
    %c0_i32 = arith.constant 0 : i32
    %c0_i32_0 = arith.constant 0 : i32
    return %arg0, %c0_i32 : i32, i32
  }
  func.func @transform_3(%arg0: i32) -> (i32, i32) {
    %c0_i32 = arith.constant 0 : i32
    %c0_i32_0 = arith.constant 0 : i32
    return %arg0, %c0_i32 : i32, i32
  }
  func.func @transform_4(%arg0: i32) -> (i32, i32) {
    %c0_i32 = arith.constant 0 : i32
    %c0_i32_0 = arith.constant 0 : i32
    %c0_i32_1 = arith.constant 0 : i32
    return %c0_i32, %c0_i32_0 : i32, i32
  }
  func.func @transform_5(%arg0: i32) -> (i32, i32) {
    %c0_i32 = arith.constant 0 : i32
    %c0_i32_0 = arith.constant 0 : i32
    %c0_i32_1 = arith.constant 0 : i32
    return %c0_i32, %c0_i32_0 : i32, i32
  }
  func.func @transform_6(%arg0: i32) -> (i32, i32) {
    %c0_i32 = arith.constant 0 : i32
    %c0_i32_0 = arith.constant 0 : i32
    %c0_i32_1 = arith.constant 0 : i32
    return %c0_i32, %c0_i32_0 : i32, i32
  }
  func.func @transform_7(%arg0: i32) -> (i32, i32) {
    %c0_i32 = arith.constant 0 : i32
    %c0_i32_0 = arith.constant 0 : i32
    %c0_i32_1 = arith.constant 0 : i32
    return %c0_i32, %c0_i32_0 : i32, i32
  }
  func.func @transform_8(%arg0: i32) -> (i32, i32) {
    %c0_i32 = arith.constant 0 : i32
    %c0_i32_0 = arith.constant 0 : i32
    %c0_i32_1 = arith.constant 0 : i32
    return %c0_i32, %c0_i32_0 : i32, i32
  }
  func.func @transform_9(%arg0: i32) -> (i32, i32) {
    %c0_i32 = arith.constant 0 : i32
    %c0_i32_0 = arith.constant 0 : i32
    %c0_i32_1 = arith.constant 0 : i32
    return %c0_i32, %c0_i32_0 : i32, i32
  }
  func.func @transform_10(%arg0: i32) -> (i32, i32) {
    %c0_i32 = arith.constant 0 : i32
    %c0_i32_0 = arith.constant 0 : i32
    %c0_i32_1 = arith.constant 0 : i32
    return %c0_i32, %c0_i32_0 : i32, i32
  }
  func.func @transform_11(%arg0: i32) -> (i32, i32) {
    %c0_i32 = arith.constant 0 : i32
    %c0_i32_0 = arith.constant 0 : i32
    %c0_i32_1 = arith.constant 0 : i32
    return %c0_i32, %c0_i32_0 : i32, i32
  }
  func.func @transform_12(%arg0: i32) -> (i32, i32) {
    %c0_i32 = arith.constant 0 : i32
    %c0_i32_0 = arith.constant 0 : i32
    %c0_i32_1 = arith.constant 0 : i32
    return %c0_i32, %c0_i32_0 : i32, i32
  }
  func.func @transform_13(%arg0: i32) -> (i32, i32) {
    %c0_i32 = arith.constant 0 : i32
    %c0_i32_0 = arith.constant 0 : i32
    %c0_i32_1 = arith.constant 0 : i32
    return %c0_i32, %c0_i32_0 : i32, i32
  }
  func.func @transform_14(%arg0: i32) -> (i32, i32) {
    %c0_i32 = arith.constant 0 : i32
    %c0_i32_0 = arith.constant 0 : i32
    %c0_i32_1 = arith.constant 0 : i32
    return %c0_i32, %c0_i32_0 : i32, i32
  }
  func.func @transform_15(%arg0: i32) -> (i32, i32) {
    %c0_i32 = arith.constant 0 : i32
    %c0_i32_0 = arith.constant 0 : i32
    %c0_i32_1 = arith.constant 0 : i32
    return %c0_i32, %c0_i32_0 : i32, i32
  }
  func.func @transform_16(%arg0: i32) -> (i32, i32) {
    %c0_i32 = arith.constant 0 : i32
    %c0_i32_0 = arith.constant 0 : i32
    %c0_i32_1 = arith.constant 0 : i32
    return %c0_i32, %c0_i32_0 : i32, i32
  }
  func.func @transform_17(%arg0: i32) -> (i32, i32) {
    %c0_i32 = arith.constant 0 : i32
    %c0_i32_0 = arith.constant 0 : i32
    %c0_i32_1 = arith.constant 0 : i32
    return %c0_i32, %c0_i32_0 : i32, i32
  }
  func.func @transform_18(%arg0: i32) -> (i32, i32) {
    %c0_i32 = arith.constant 0 : i32
    %c0_i32_0 = arith.constant 0 : i32
    %c0_i32_1 = arith.constant 0 : i32
    return %c0_i32, %c0_i32_0 : i32, i32
  }
  func.func @transform_19(%arg0: i32) -> (i32, i32) {
    %c0_i32 = arith.constant 0 : i32
    %c0_i32_0 = arith.constant 0 : i32
    %c0_i32_1 = arith.constant 0 : i32
    return %c0_i32, %c0_i32_0 : i32, i32
  }
}

</mosaic_0001>

<sc_bundles>
// kernel: kernel.4.cloned.1.call-start
scs
__scs_entry_jumppad:
0x0: {  	(pc) =	sbr.rel $0x88, $3  }
0x1: {  	(tag) =	ssettag $0x0;
	lr =	simm.s32 $0x1  }
0x2: {  	[smem:$0x3F91] =	sst lr;
	_ =	strace $0xD0000000  }
0x3: {  	_ = 	snop  }
0x4: {  	_ = 	snop  }
0x5: {  	_ = 	snop  }
0x6: {  	_ = 	snop  }
0x7: {  	_ = 	snop  }
__scs_overlays_trampoline_lowered:
0x8: {  	[smem:$0x3FA0] =	sst s0  }
0x9: {  	[smem:$0x3FA1] =	sst s1  }
0xa: {  	[smem:$0x3FA2] =	sst s2  }
0xb: {  	[smem:$0x3FA3] =	sst s3  }
0xc: {  	[smem:$0x3FA4] =	sst s4  }
0xd: {  	[smem:$0x3FA5] =	sst s5  }
0xe: {  	[smem:$0x3FA6] =	sst s6  }
0xf: {  	[smem:$0x3FA7] =	sst s7  }
0x10: {  	[smem:$0x3FA8] =	sst s8  }
0x11: {  	[smem:$0x3FA9] =	sst s9;
	s0 =	simm.s32 @!p0 $0x0  }
0x12: {  	s1 =	sld [smem:$0x3F8F];
	s0 =	simm.s32 @p0 $0x1  }
0x13: {  	[smem:$0x3FAA] =	sst s0;
	s0 =	simm.s32 @!p1 $0x0  }
0x14: {  	s2 =	sld [smem:$0x3F8E];
	s0 =	simm.s32 @p1 $0x1  }
0x15: {  	[smem:$0x3FAB] =	sst s0;
	s0 =	simm.s32 @!p2 $0x0  }
0x16: {  	s3 =	sld [smem:$0x3FDB];
	s0 =	simm.s32 @p2 $0x1  }
0x17: {  	s4 =	simm.s32 $0x1BF5;
	[smem:$0x3FAD] =	sst s0  }
0x18: {  	s0 =	sld [smem:$0x3F90];
	_ =	swait.ge [sflag:s4], $0x0  }
0x19: {  	s7 =	sld [smem:$0x3F91]  }
0x1a: {  	s8 =	sadd.s32 $0xFFFFE003, lr  }
0x1b: {  	s9 =	sadd.s32 $0xFFFFFEF7, lr;
	s5 =	simm.s32 $0xFFFFFFFF;
	p2 =	slt.u32 s8, $0xFFFFF086  }
0x1c: {  	p1 =	slt.u32 s9, $0xF7A;
	s5 =	simm.s32 @!p2 $0x0  }
0x1d: {  	s5 =	simm.s32 @p1 $0x1;
	p0 =	seq.s32 s7, s2  }
0x1e: {  	s7 =	smul.u32 @!p0 $0xF7A, s2;
	p2 =	seq.s32 @!p0 s5, $0x0  }
0x1f: {  	s9 =	smul.u32 $0xF7A, s1;
	s8 =	simm.s32 @!p0 $0x1BF5;
	p2 =	por !p2, p0  }
0x20: {  	[sflag:s8] =	ssyncset.s32 @!p0 $0xFFFFF086;
	s6 =	sadd.s32 @!p0 s3, s7;
	s7 =	simm.s32 @!p0 $0x108  }
0x21: {  	s3 =	sadd.s32 s3, s9;
	s6 =	sadd.s32 @!p0 $0x88, s6;
	s7 =	simm.s32 @p2 $0x1082  }
0x22: {  	[simem:s7], [sflag:s8] =	dma.local @!p0 [hbm:s6], $0xF7A  }
0x23: {  	s9 =	sor.u32 $0xD0000000, s2;
	s6 =	simm.s32 $0x108;
	_ =	swait.ge @!p0 [sflag:s8], $0x0  }
0x24: {  	s3 =	sadd.s32 $0x88, s3;
	s6 =	simm.s32 @!p1 $0x1082;
	[sflag:s4] =	ssyncset.s32 $0xFFFFF086  }
0x25: {  	[simem:s6], [sflag:s4] =	dma.local [hbm:s3], $0xF7A  }
0x26: {  	[smem:$0x3F91] =	sst s1;
	(tag) =	ssettag s2;
	_ =	strace s9  }
0x27: {  	s1 =	sld [smem:$0x3FA1]  }
0x28: {  	s2 =	sld [smem:$0x3FA2]  }
0x29: {  	s4 =	sld [smem:$0x3FA4]  }
0x2a: {  	p0 =	seq.s32 s5, $0x0;
	s5 =	sld [smem:$0x3FA5]  }
0x2b: {  	s6 =	sld [smem:$0x3FA6]  }
0x2c: {  	s7 =	sld [smem:$0x3FA7]  }
0x2d: {  	s3 =	simm.s32 $0x108;
	s8 =	sld [smem:$0x3FA8]  }
0x2e: {  	s3 =	simm.s32 @!p0 $0x1082;
	s9 =	sld [smem:$0x3FA9]  }
0x2f: {  	lr =	sadd.s32 s0, s3;
	s0 =	sld [smem:$0x3FA0]  }
0x30: {  	s3 =	sld [smem:$0x3FA3]  }
0x31: {  	[smem:$0x3FAC] =	sst s10  }
0x32: {  	s10 =	sld [smem:$0x3FAA];
	_ =	sdelay $0x3  }
0x33: {  	p0 =	seq.s32 s10, $0x1;
	s10 =	sld [smem:$0x3FAC];
	_ =	sdelay $0x3  }
0x34: {  	[smem:$0x3FAC] =	sst s10  }
0x35: {  	s10 =	sld [smem:$0x3FAB];
	_ =	sdelay $0x3  }
0x36: {  	p1 =	seq.s32 s10, $0x1;
	s10 =	sld [smem:$0x3FAC];
	_ =	sdelay $0x3  }
0x37: {  	[smem:$0x3FAC] =	sst s10  }
0x38: {  	s10 =	sld [smem:$0x3FAD]  }
0x39: {  	_ = 	snop;
	(pc) =	sbr.ind lr, $3  }
0x3a: {  	_ = 	snop  }
0x3b: {  	_ = 	snop  }
0x3c: {  	p2 =	seq.s32 s10, $0x1;
	s10 =	sld [smem:$0x3FAC]  }
0x3d: {  	_ =	shalt  }
0x3e: {  	_ =	shalt  }
0x3f: {  	_ =	shalt  }
0x40: {  	_ =	shalt  }
0x41: {  	_ =	shalt  }
0x42: {  	_ =	shalt  }
0x43: {  	_ =	shalt  }
0x44: {  	_ =	shalt  }
0x45: {  	_ =	shalt  }
0x46: {  	_ =	shalt  }
0x47: {  	_ =	shalt  }
0x48: {  	_ =	shalt  }
0x49: {  	_ =	shalt  }
0x4a: {  	_ =	shalt  }
0x4b: {  	_ =	shalt  }
0x4c: {  	_ =	shalt  }
0x4d: {  	_ =	shalt  }
0x4e: {  	_ =	shalt  }
0x4f: {  	_ =	shalt  }
0x50: {  	_ =	shalt  }
0x51: {  	_ =	shalt  }
0x52: {  	_ =	shalt  }
0x53: {  	_ =	shalt  }
0x54: {  	_ =	shalt  }
0x55: {  	_ =	shalt  }
0x56: {  	_ =	shalt  }
0x57: {  	_ =	shalt  }
0x58: {  	_ =	shalt  }
0x59: {  	_ =	shalt  }
0x5a: {  	_ =	shalt  }
0x5b: {  	_ =	shalt  }
0x5c: {  	_ =	shalt  }
0x5d: {  	_ =	shalt  }
0x5e: {  	_ =	shalt  }
0x5f: {  	_ =	shalt  }
0x60: {  	_ =	shalt  }
0x61: {  	_ =	shalt  }
0x62: {  	_ =	shalt  }
0x63: {  	_ =	shalt  }
0x64: {  	_ =	shalt  }
0x65: {  	_ =	shalt  }
0x66: {  	_ =	shalt  }
0x67: {  	_ =	shalt  }
0x68: {  	_ =	shalt  }
0x69: {  	_ =	shalt  }
0x6a: {  	_ =	shalt  }
0x6b: {  	_ =	shalt  }
0x6c: {  	_ =	shalt  }
0x6d: {  	_ =	shalt  }
0x6e: {  	_ =	shalt  }
0x6f: {  	_ =	shalt  }
0x70: {  	_ =	shalt  }
0x71: {  	_ =	shalt  }
0x72: {  	_ =	shalt  }
0x73: {  	_ =	shalt  }
0x74: {  	_ =	shalt  }
0x75: {  	_ =	shalt  }
0x76: {  	_ =	shalt  }
0x77: {  	_ =	shalt  }
0x78: {  	_ =	shalt  }
0x79: {  	_ =	shalt  }
0x7a: {  	_ =	shalt  }
0x7b: {  	_ =	shalt  }
0x7c: {  	_ =	shalt  }
0x7d: {  	_ =	shalt  }
0x7e: {  	_ =	shalt  }
0x7f: {  	_ =	shalt  }
0x80: {  	_ =	shalt  }
0x81: {  	_ =	shalt  }
0x82: {  	_ =	shalt  }
0x83: {  	_ =	shalt  }
0x84: {  	_ =	shalt  }
0x85: {  	_ =	shalt  }
0x86: {  	_ =	shalt  }
0x87: {  	_ =	shalt  }
.Lfunc_end0:
.L_simem_size_0:
called_computation_lowered:
.L_overlay_start_0:
0x88: {  	s2 =	sld [smem:$0x3FD9]  }
0x89: {  	s3 =	sld [smem:$0x3FFE];
	_ =	sdelay $0x1  }
0x8a: {  	s1 =	srdreg.scid  }
0x8b: {  	s0 =	sand.u32 $0x1, s1  }
0x8c: {  	s14 =	sshll.u32 s0, $0xA;
	s2 =	sadd.s32 s3, s2  }
0x8d: {  	s2 =	sadd.s32 s2, s14  }
0x8e: {  	[smem:$0x3FB8] =	sst s2  }
0x8f: {  	_ = 	snop  }
0x90: {  	s2 =	sld [smem:$0x3FD0];
	_ =	sdelay $0x2  }
0x91: {  	s15 =	simm.s32 $0xA;
	s4 =	simm.s32 $0x10  }
0x92: {  	[smem:s4], [sflag:s15] =	dma.local [hbm:s2], $0x1  }
0x93: {  	_ =	swait.eq [sflag:s15], $0x1  }
0x94: {  	[sflag:s15] =	ssyncset.done $0x0  }
0x95: {  	s16 =	sld [smem:$0x12];
	[sflag:s15] =	ssyncadd.s32 $0xFFFFFFFF  }
0x96: {  	s17 =	sld [smem:$0x13];
	(tm) =	ssettm $0x1  }
0x97: {  	s18 =	sld [smem:$0x3FFB];
	_ =	sdelay $0x3  }
0x98: {  	_ =	strace s18  }
0x99: {  	s4 =	sld [smem:$0x3FFC];
	_ =	sdelay $0x3  }
0x9a: {  	_ =	strace s4  }
0x9b: {  	s4 =	sld [smem:$0x3FFD];
	_ =	sdelay $0x3  }
0x9c: {  	_ =	strace s4  }
0x9d: {  	_ =	strace $0x8FFFFFFF  }
0x9e: {  	s19 =	sld [smem:$0x3FDB];
	_ =	sdelay $0x1  }
0x9f: {  	s5 =	simm.s32 $_scs_section_size  }
0xa0: {  	s6 =	simm.s32 $_size__tile_overlayer_lowered;
	s7 =	simm.s32 $_tile_overlayer_lowered  }
0xa1: {  	s22 =	simm.s32 $0x1BFF;
	s21 =	sshll.u32 s7, $0x1;
	s4 =	sadd.s32 s5, s19  }
0xa2: {  	s8 =	simm.s32 $0x0;
	s20 =	sshll.u32 s6, $0x1;
	s6 =	sadd.s32 s21, s4  }
0xa3: {  	[timem:s8], [sflag:s22] =	dma.local [hbm:s6], s20  }
0xa4: {  	_ =	swait.ge [sflag:s22], s20  }
0xa5: {  	s5 =	ssub.s32 $0x0, s20;
	[sflag:s22] =	ssyncset.done $0x0  }
0xa6: {  	[sflag:s22] =	ssyncadd.s32 s5;
	_ =	sdelay $0x1  }
0xa7: {  	s23 =	simm.s32 $0x1B8B  }
0xa8: {  	_ =	swait.ge [sflag:s23], $0x1  }
0xa9: {  	[sflag:s23] =	ssyncset.done $0x0  }
0xaa: {  	s25 =	simm.s32 $0x1B8E;
	s24 =	sld [smem:$0x3FFE];
	[sflag:s23] =	ssyncadd.s32 $0xFFFFFFFF  }
0xab: {  	s26 =	simm.s32 $execute0_lowered;
	[smem:$0x3FD2] =	sst s25  }
0xac: {  	s6 =	sshll.u32 s26, $0x1;
	_ =	strace $0x80000046;
	[dreg:$0x1] =	wrdreg $0xFFFFFFFF  }
0xad: {  	s28 =	simm.s32 $_size_execute0_lowered;
	s4 =	sadd.s32 s4, s6;
	[dreg:$0x0] =	wrdreg $0x0  }
0xae: {  	s6 =	sshll.u32 s28, $0x1;
	[dreg:$0x2] =	wrdreg s4  }
0xaf: {  	[dreg:$0x3] =	wrdreg s6  }
0xb0: {  	[dreg:$0x4] =	wrdreg $0xC0  }
0xb1: {  	_ =	task [dreg:s8], $0x5FFFF  }
0xb2: {  	[dreg:$0x1] =	wrdreg $0xFFFFFFFF  }
0xb3: {  	[dreg:$0x0] =	wrdreg $0x60  }
0xb4: {  	[dreg:$0x2] =	wrdreg s17  }
0xb5: {  	[dreg:$0x3] =	wrdreg s24  }
0xb6: {  	[dreg:$0x4] =	wrdreg s16  }
0xb7: {  	[dreg:$0x5] =	wrdreg $0x9  }
0xb8: {  	_ =	task.clear_ibuf [dreg:s8], $0x6FFFF;
	_ =	strace $0x90000046  }
0xb9: {  	s29 =	simm.s32 $0x9;
	_ =	strace $0x80000048  }
0xba: {  	_ =	swait.ge [sflag:s29], $0x1  }
0xbb: {  	[sflag:s29] =	ssyncadd.s32 $0xFFFFFFFF  }
0xbc: {  	_ =	strace $0x90000048  }
0xbd: {  	_ =	sfence  }
0xbe: {  	s30 =	sld [smem:$0x0];
	_ =	sdelay $0x2  }
0xbf: {  	s31 =	sshll.u32 s1, $0xD;
	s1 =	sshrl.u32 s1, $0x2  }
0xc0: {  	s3 =	sand.u32 $0x4000, s31;
	s1 =	sadd.s32 s1, s30  }
0xc1: {  	s0 =	sor.u32 s3, s0;
	s1 =	sshll.u32 s1, $0x11  }
0xc2: {  	s0 =	sor.u32 s1, s0  }
0xc3: {  	s0 =	sadd.s32 $0x8F2B, s0  }
0xc4: {  	[sflag:s0] =	ssyncadd.remote.s32 $0x1  }
0xc5: {  	_ =	sfence.sel $0xFFFF  }
0xc6: {  	[dreg:$0x0] =	wrdreg $0xFFFFFFFF;
	(pc) =	sbr.abs _section_cstart, $3  }
0xc7: {  	[dreg:$0x1] =	wrdreg $0xFFFFFFFF  }
0xc8: {  	_ =	task.clear_ibuf [dreg:s8], $0x2FFFF;
	_ =	strace $0x9FFFFFFF  }
0xc9: {  	(tm) =	ssettm $0x7FFFFFFF  }
tec
execute0_lowered:
.L_overlay_start_1:
0x0: {  	(tag) =	ssettag $0x1  }
0x1: {  	s5 =	rddreg [dreg:$0x0]  }
0x2: {  	s6 =	rddreg [dreg:$0x1]  }
0x3: {  	s7 =	rddreg [dreg:$0x2]  }
0x4: {  	s0 =	rddreg [dreg:$0x3]  }
0x5: {  	s2 =	simm.s32 $0x0;
	s3 =	srdreg.scid;
	s1 =	stileid.u32  }
0x6: {  	s12 =	simm.s32 $0x528;
	s13 =	simm.s32 $0x7A8;
	s14 =	simm.s32 $0x828  }
0x7: {  	[smem:$0x7FF] =	sst s2;
	s4 =	sand.u32 $0x1, s3;
	s8 =	sshll.u32 s1, $0x1  }
0x8: {  	s3 =	sadd.s32 $0x189600, s6;
	_ =	strace $0x80000047;
	s8 =	sor.u32 s4, s8  }
0x9: {  	s10 =	ssub.s32 $0x2, s4;
	s4 =	sadd.s32 $0x1EB200, s6;
	s9 =	sshll.u32 s8, $0x3  }
0xa: {  	s11 =	smul.u32 $0x5, s8;
	s30 =	sshrl.u32 s10, $0x1;
	s31 =	sshll.u32 s8, $0x4  }
0xb: {  	s9 =	sadd.s32 s9, s6;
	s10 =	ssub.s32 s10, s30;
	s6 =	sadd.s32 s7, s31  }
0xc: {  	s5 =	sadd.s32 s5, s11;
	s7 =	sadd.s32 $0x2C00, s9;
	s8 =	smax.u32 s10, $0x1  }
0xd: {  	s9 =	simm.s32 $0x2;
	s10 =	simm.s32 $0x28;
	s11 =	simm.s32 $0x1  }
.LBB2_1:
0xe: {  	[tilespmem:s2], [sflag:$0x2] =	stream.linear.gather [hbm4b:s5+s2], $0x28, $0x38;
	[tilespmem:$0x868] =	vst v63  }
0xf: {  	_ =	swait.ge [sflag:s9], $0x28  }
0x10: {  	[sflag:s9] =	ssyncset.done $0x0  }
0x11: {  	[sflag:s9] =	ssyncadd.s32 $0xFFFFFFD8  }
0x12: {  	[tilespmem:s10], [sflag:$0x1] =	stream.indirect.gather [hbm4b:s3+s10], $0x20, s2, s10, $0xb8;
	[tilespmem:$0x868] =	vst v63  }
0x13: {  	_ =	swait.ge [sflag:s11], $0x500  }
0x14: {  	[sflag:s11] =	ssyncset.done $0x0  }
0x15: {  	[sflag:s11] =	ssyncadd.s32 $0xFFFFFB00  }
0x16: {  	[tilespmem:s12], [sflag:$0x1] =	stream.indirect.gather [hbm4b:s4+s10], $0x10, s2, s10, $0xb8;
	[tilespmem:$0x868] =	vst v63  }
0x17: {  	_ =	swait.ge [sflag:s11], $0x280  }
0x18: {  	[sflag:s11] =	ssyncset.done $0x0  }
0x19: {  	[sflag:s11] =	ssyncadd.s32 $0xFFFFFD80  }
0x1a: {  	v0 =	vld [tilespmem:$0x28]  }
0x1b: {  	v1 =	vld [tilespmem:$0x48]  }
0x1c: {  	v2 =	vld [tilespmem:$0x68]  }
0x1d: {  	v3 =	vld [tilespmem:$0x88]  }
0x1e: {  	v4 =	vld [tilespmem:$0xA8]  }
0x1f: {  	v6 =	vld [tilespmem:$0xC8]  }
0x20: {  	v8 =	vld [tilespmem:$0xE8]  }
0x21: {  	v19 =	vld [tilespmem:$0x108]  }
0x22: {  	v48 =	vld [tilespmem:$0x128]  }
0x23: {  	v59 =	vld [tilespmem:$0x148]  }
0x24: {  	v10 =	vld [tilespmem:$0x38]  }
0x25: {  	v11 =	vld [tilespmem:$0x58]  }
0x26: {  	v12 =	vld [tilespmem:$0x78]  }
0x27: {  	v13 =	vld [tilespmem:$0x98]  }
0x28: {  	v14 =	vld [tilespmem:$0xB8]  }
0x29: {  	v15 =	vld [tilespmem:$0xD8]  }
0x2a: {  	v16 =	vld [tilespmem:$0xF8]  }
0x2b: {  	v17 =	vld [tilespmem:$0x118]  }
0x2c: {  	v18 =	vld [tilespmem:$0x138]  }
0x2d: {  	v46 =	vld [tilespmem:$0x158]  }
0x2e: {  	v20 =	vld [tilespmem:$0x528]  }
0x2f: {  	v21 =	vld [tilespmem:$0x538]  }
0x30: {  	v22 =	vld [tilespmem:$0x548]  }
0x31: {  	v23 =	vld [tilespmem:$0x558]  }
0x32: {  	v24 =	vld [tilespmem:$0x568]  }
0x33: {  	v25 =	vld [tilespmem:$0x578]  }
0x34: {  	v26 =	vld [tilespmem:$0x588]  }
0x35: {  	v27 =	vld [tilespmem:$0x598]  }
0x36: {  	v28 =	vld [tilespmem:$0x5A8]  }
0x37: {  	v29 =	vld [tilespmem:$0x5B8]  }
0x38: {  	v30 =	vld [tilespmem:$0x168]  }
0x39: {  	v31 =	vld [tilespmem:$0x188]  }
0x3a: {  	v32 =	vld [tilespmem:$0x1A8]  }
0x3b: {  	v33 =	vld [tilespmem:$0x1C8]  }
0x3c: {  	v34 =	vld [tilespmem:$0x1E8]  }
0x3d: {  	v35 =	vld [tilespmem:$0x208]  }
0x3e: {  	v36 =	vld [tilespmem:$0x228]  }
0x3f: {  	v37 =	vld [tilespmem:$0x248]  }
0x40: {  	v38 =	vld [tilespmem:$0x268]  }
0x41: {  	v39 =	vld [tilespmem:$0x288]  }
0x42: {  	v40 =	vld [tilespmem:$0x178]  }
0x43: {  	v41 =	vld [tilespmem:$0x198]  }
0x44: {  	v42 =	vld [tilespmem:$0x1B8]  }
0x45: {  	v43 =	vld [tilespmem:$0x1D8]  }
0x46: {  	v44 =	vld [tilespmem:$0x1F8]  }
0x47: {  	v47 =	vld [tilespmem:$0x218]  }
0x48: {  	v58 =	vld [tilespmem:$0x238]  }
0x49: {  	v5 =	vld [tilespmem:$0x258]  }
0x4a: {  	v61 =	vld [tilespmem:$0x278]  }
0x4b: {  	v62 =	vld [tilespmem:$0x298]  }
0x4c: {  	v50 =	vld [tilespmem:$0x5C8]  }
0x4d: {  	v51 =	vld [tilespmem:$0x5D8]  }
0x4e: {  	v52 =	vld [tilespmem:$0x5E8]  }
0x4f: {  	v53 =	vld [tilespmem:$0x5F8]  }
0x50: {  	v54 =	vld [tilespmem:$0x608]  }
0x51: {  	v55 =	vld [tilespmem:$0x618]  }
0x52: {  	v56 =	vld [tilespmem:$0x628]  }
0x53: {  	v57 =	vld [tilespmem:$0x638]  }
0x54: {  	v63 =	vld [tilespmem:$0x648]  }
0x55: {  	v9 =	vld [tilespmem:$0x658]  }
0x56: {  	v60 =	vld [tilespmem:$0x2A8]  }
0x57: {  	v7 =	vld [tilespmem:$0x348]  }
0x58: {  	v45 =	vld [tilespmem:$0x388]  }
0x59: {  	v49 =	vld [tilespmem:$0x3A8]  }
0x5a: {  	[tilespmem:$0x1FFC0] =	vst v61;
	v61 =	vld [tilespmem:$0x2C8]  }
0x5b: {  	[tilespmem:$0x1FFE0] =	vst v62;
	v62 =	vld [tilespmem:$0x2E8]  }
0x5c: {  	[tilespmem:$0x1FFD0] =	vst v63;
	v63 =	vld [tilespmem:$0x308]  }
0x5d: {  	[tilespmem:$0x1FFB0] =	vst v5;
	v5 =	vld [tilespmem:$0x328]  }
0x5e: {  	[tilespmem:$0x1FFF0] =	vst v9;
	v9 =	vld [tilespmem:$0x368]  }
0x5f: {  	v0 =	vadd.f32 v1, v0;
	v1 =	vld [tilespmem:$0x3C8]  }
0x60: {  	v10 =	vadd.f32 v11, v10;
	v11 =	vld [tilespmem:$0x2B8]  }
0x61: {  	v0 =	vadd.f32 v2, v0;
	v2 =	vadd.f32 v21, v20;
	v20 =	vld [tilespmem:$0x2D8]  }
0x62: {  	v10 =	vadd.f32 v12, v10;
	v21 =	vld [tilespmem:$0x2F8]  }
0x63: {  	v0 =	vadd.f32 v3, v0;
	v3 =	vld [tilespmem:$0x318]  }
0x64: {  	v31 =	vadd.f32 v31, v30;
	v10 =	vadd.f32 v13, v10;
	v13 =	vld [tilespmem:$0x338]  }
0x65: {  	v2 =	vadd.f32 v22, v2;
	v22 =	vld [tilespmem:$0x698]  }
0x66: {  	v12 =	vadd.f32 v32, v31;
	v0 =	vadd.f32 v4, v0;
	v4 =	vld [tilespmem:$0x358]  }
0x67: {  	v10 =	vadd.f32 v14, v10;
	v14 =	vld [tilespmem:$0x378]  }
0x68: {  	v12 =	vadd.f32 v33, v12;
	v2 =	vadd.f32 v23, v2;
	v23 =	vld [tilespmem:$0x6B8]  }
0x69: {  	v0 =	vadd.f32 v6, v0;
	v6 =	vld [tilespmem:$0x398]  }
0x6a: {  	v12 =	vadd.f32 v34, v12;
	v10 =	vadd.f32 v15, v10;
	v15 =	vld [tilespmem:$0x3B8]  }
0x6b: {  	v2 =	vadd.f32 v24, v2;
	v24 =	vld [tilespmem:$0x6C8]  }
0x6c: {  	v12 =	vadd.f32 v35, v12;
	v0 =	vadd.f32 v8, v0;
	v8 =	vld [tilespmem:$0x3D8]  }
0x6d: {  	v10 =	vadd.f32 v16, v10;
	v16 =	vld [tilespmem:$0x668]  }
0x6e: {  	v11 =	vadd.f32 v20, v11;
	v12 =	vadd.f32 v36, v12;
	v36 =	vld [tilespmem:$0x728]  }
0x6f: {  	v2 =	vadd.f32 v25, v2;
	v0 =	vadd.f32 v19, v0;
	v19 =	vld [tilespmem:$0x678]  }
0x70: {  	v11 =	vadd.f32 v21, v11;
	v10 =	vadd.f32 v17, v10;
	v17 =	vld [tilespmem:$0x688]  }
0x71: {  	v2 =	vadd.f32 v26, v2;
	v12 =	vadd.f32 v37, v12;
	v26 =	vld [tilespmem:$0x6D8]  }
0x72: {  	v3 =	vadd.f32 v3, v11;
	v10 =	vadd.f32 v18, v10;
	v18 =	vld [tilespmem:$0x6A8]  }
0x73: {  	v0 =	vadd.f32 v48, v0;
	v12 =	vadd.f32 v38, v12;
	v48 =	vld [tilespmem:$0x448]  }
0x74: {  	v38 =	vadd.f32 v41, v40;
	v40 =	vadd.f32 v51, v50;
	v50 =	vld [tilespmem:$0x468]  }
0x75: {  	v51 =	vld [tilespmem:$0x488]  }
0x76: {  	v3 =	vadd.f32 v13, v3;
	v41 =	vadd.f32 v61, v60;
	v60 =	vld [tilespmem:$0x1FFE0]  }
0x77: {  	v2 =	vadd.f32 v27, v2;
	v61 =	vld [tilespmem:$0x718]  }
0x78: {  	v3 =	vadd.f32 v4, v3;
	v4 =	vld [tilespmem:$0x4E8];
	v0 =	vadd.f32 v59, v0  }
0x79: {  	v2 =	vadd.f32 v28, v2;
	v10 =	vadd.f32 v46, v10;
	v28 =	vld [tilespmem:$0x6E8]  }
0x7a: {  	v12 =	vadd.f32 v39, v12;
	v25 =	vadd.f32 v42, v38;
	v42 =	vld [tilespmem:$0x3E8]  }
0x7b: {  	v27 =	vadd.f32 v52, v40;
	v46 =	vld [tilespmem:$0x428];
	v3 =	vadd.f32 v14, v3  }
0x7c: {  	v59 =	vld [tilespmem:$0x708];
	v35 =	vadd.f32 v19, v16;
	v2 =	vadd.f32 v29, v2  }
0x7d: {  	v52 =	vld [tilespmem:$0x4A8];
	v25 =	vadd.f32 v43, v25;
	v29 =	vadd.f32 v62, v41  }
0x7e: {  	v43 =	vld [tilespmem:$0x408];
	v27 =	vadd.f32 v53, v27;
	v3 =	vadd.f32 v6, v3  }
0x7f: {  	v38 =	vld [tilespmem:$0x458];
	v25 =	vadd.f32 v44, v25;
	v29 =	vadd.f32 v63, v29  }
0x80: {  	v39 =	vld [tilespmem:$0x738];
	v27 =	vadd.f32 v54, v27;
	v3 =	vadd.f32 v15, v3  }
0x81: {  	v41 =	vld [tilespmem:$0x748];
	v6 =	vadd.f32 v61, v59;
	v25 =	vadd.f32 v47, v25  }
0x82: {  	v54 =	vld [tilespmem:$0x1FFB0];
	v5 =	vadd.f32 v5, v29;
	v27 =	vadd.f32 v55, v27  }
0x83: {  	v55 =	vld [tilespmem:$0x3F8];
	v3 =	vadd.f32 v8, v3;
	v37 =	vadd.f32 v43, v42  }
0x84: {  	v5 =	vadd.f32 v7, v5;
	v27 =	vadd.f32 v56, v27;
	v56 =	vld [tilespmem:$0x1FFC0]  }
0x85: {  	v6 =	vadd.f32 v36, v6;
	v25 =	vadd.f32 v58, v25;
	v58 =	vld [tilespmem:$0x1FFD0]  }
0x86: {  	v5 =	vadd.f32 v9, v5;
	v27 =	vadd.f32 v57, v27;
	v57 =	vld [tilespmem:$0x418]  }
0x87: {  	v40 =	vld [tilespmem:$0x478];
	v8 =	vadd.f32 v46, v37;
	v6 =	vadd.f32 v39, v6  }
0x88: {  	v63 =	vld [tilespmem:$0x438];
	v25 =	vadd.f32 v54, v25;
	v5 =	vadd.f32 v45, v5  }
0x89: {  	v43 =	vld [tilespmem:$0x758];
	v8 =	vadd.f32 v48, v8;
	v6 =	vadd.f32 v41, v6  }
0x8a: {  	v53 =	vld [tilespmem:$0x4C8];
	v25 =	vadd.f32 v56, v25;
	v5 =	vadd.f32 v49, v5  }
0x8b: {  	v62 =	vld [tilespmem:$0x1FFF0];
	v27 =	vadd.f32 v58, v27;
	v14 =	vadd.f32 v57, v55  }
0x8c: {  	v44 =	vld [tilespmem:$0x4B8];
	v1 =	vadd.f32 v1, v5;
	v5 =	vadd.f32 v17, v35  }
0x8d: {  	v42 =	vld [tilespmem:$0x498];
	v8 =	vadd.f32 v50, v8;
	v14 =	vadd.f32 v63, v14  }
0x8e: {  	v45 =	vld [tilespmem:$0x768];
	v6 =	vadd.f32 v43, v6;
	v5 =	vadd.f32 v22, v5  }
0x8f: {  	v47 =	vld [tilespmem:$0x778];
	v25 =	vadd.f32 v60, v25;
	v14 =	vadd.f32 v38, v14  }
0x90: {  	v46 =	vld [tilespmem:$0x4D8];
	v8 =	vadd.f32 v51, v8;
	v5 =	vadd.f32 v18, v5  }
0x91: {  	v9 =	vld [tilespmem:$0x508];
	v27 =	vadd.f32 v62, v27;
	v14 =	vadd.f32 v40, v14  }
0x92: {  	v0 =	vmul.f32 $1.000000010e-01, v0;
	v51 =	vld [tilespmem:$0x788];
	v8 =	vadd.f32 v52, v8;
	v5 =	vadd.f32 v23, v5  }
0x93: {  	v10 =	vmul.f32 $1.000000010e-01, v10;
	v48 =	vld [tilespmem:$0x4F8];
	v6 =	vadd.f32 v45, v6;
	v14 =	vadd.f32 v42, v14  }
0x94: {  	[tilespmem:$0x7A8] =	vst v0;
	v2 =	vmul.f32 $1.000000010e-01, v2;
	v55 =	vld [tilespmem:$0x798];
	v7 =	vadd.f32 v53, v8;
	v5 =	vadd.f32 v24, v5  }
0x95: {  	v30 =	vld [tilespmem:$0x6F8];
	[tilespmem:$0x7B8] =	vst v10;
	v3 =	vmul.f32 $1.000000010e-01, v3;
	v6 =	vadd.f32 v47, v6;
	v50 =	vadd.f32 v44, v14  }
0x96: {  	[tilespmem:$0x828] =	vst v2;
	v52 =	vmul.f32 $1.000000010e-01, v12;
	v53 =	vld [tilespmem:$0x518];
	v4 =	vadd.f32 v4, v7;
	v49 =	vadd.f32 v26, v5  }
0x97: {  	[tilespmem:$0x7F8] =	vst v3;
	v54 =	vmul.f32 $1.000000010e-01, v25;
	v58 =	vadd.f32 v51, v6;
	v5 =	vadd.f32 v46, v50  }
0x98: {  	v56 =	vmul.f32 $1.000000010e-01, v27;
	[tilespmem:$0x7C8] =	vst v52;
	v4 =	vadd.f32 v9, v4;
	v0 =	vadd.f32 v28, v49  }
0x99: {  	v1 =	vmul.f32 $1.000000010e-01, v1;
	[tilespmem:$0x7D8] =	vst v54;
	v60 =	vadd.f32 v55, v58;
	v57 =	vadd.f32 v48, v5  }
0x9a: {  	[tilespmem:$0x838] =	vst v56;
	v61 =	vmul.f32 $1.000000010e-01, v4;
	v0 =	vadd.f32 v30, v0  }
0x9b: {  	[tilespmem:$0x7E8] =	vst v1;
	v63 =	vmul.f32 $1.000000010e-01, v60;
	v59 =	vadd.f32 v53, v57  }
0x9c: {  	[tilespmem:$0x808] =	vst v61;
	v0 =	vmul.f32 $1.000000010e-01, v0  }
0x9d: {  	[tilespmem:$0x858] =	vst v63;
	v62 =	vmul.f32 $1.000000010e-01, v59  }
0x9e: {  	[tilespmem:$0x848] =	vst v0  }
0x9f: {  	[tilespmem:$0x818] =	vst v62  }
0xa0: {  	[hbm4b:s6+s2] =	stream.linear.scatter [tilespmem:s13], [sflag:$0x2], $0x80, $0x38;
	[tilespmem:$0x868] =	vst v63  }
0xa1: {  	_ =	swait.ge [sflag:s9], $0x80  }
0xa2: {  	p0 =	sne.s32 s8, $0x1;
	[sflag:s9] =	ssyncset.done $0x0  }
.Ltmp0:
0xa3: {  	[sflag:s9] =	ssyncadd.s32 $0xFFFFFF80;
	(pc) =	sbr.rel @p0 .LBB2_1-.Ltmp0, $4  }
0xa4: {  	[hbm4b:s7+s2] =	stream.linear.scatter [tilespmem:s14], [sflag:$0x2], $0x40, $0x38;
	[tilespmem:$0x868] =	vst v63  }
0xa5: {  	_ =	swait.ge [sflag:s9], $0x40  }
0xa6: {  	[sflag:s9] =	ssyncset.done $0x0  }
0xa7: {  	s8 =	sadd.s32 $0xFFFFFFFF, s8;
	[sflag:s9] =	ssyncadd.s32 $0xFFFFFFC0  }
0xa8: {  	_ =	sfence.sel $0x180000  }
0xa9: {  	[bflag:$0x0] =	sbarrier.arrive $0xFFFF  }
0xaa: {  	p0 =	sne.s32 s1, $0x0;
	_ =	strace $0x90000047  }
0xab: {  	s0 =	sadd.s32 @!p0 $0x100000, s0;
	[bflag:$0x2] =	sbarrier.arrive $0xFFFF  }
0xac: {  	[sflag:s0] =	ssyncadd.tile.s32 @!p0 $0x1;
	_ =	shalt  }
.Lfunc_end2:
_tile_overlayer_lowered:
.L_overlay_start_2:
0xad: {  	(tag) =	ssettag $0x2  }
0xae: {  	s0 =	rddreg [dreg:$0x0];
	s2 =	stileid.u32  }
0xaf: {  	s1 =	rddreg [dreg:$0x1];
	p0 =	sne.s32 s2, $0x0  }
0xb0: {  	s3 =	rddreg [dreg:$0x2];
	[bflag:$0x3] =	sbarrier.arrive $0xFFFF;
	s2 =	simm.s32 @!p0 $0x1C02  }
0xb1: {  	[timem:s3], [sflag:s2] =	dma.local @!p0 [hbm:s0], s1  }
0xb2: {  	s0 =	simm.s32 @!p0 $0x2  }
0xb3: {  	_ =	swait.ge @!p0 [sflag:s0], s1  }
0xb4: {  	s1 =	ssub.s32 @!p0 $0x0, s1;
	[sflag:s0] =	ssyncset.done @!p0 $0x0  }
0xb5: {  	[sflag:s0] =	ssyncadd.s32 @!p0 s1  }
0xb6: {  	[bflag:$0x3] =	sbarrier.arrive $0xFFFF  }
0xb7: {  	_ =	shalt  }

</sc_bundles>
